<compile_context>
chip_gen: v7x
topology: tpu7x:2x2x1
jax: 0.10.2.dev20260603
libtpu: 0.0.44.dev20260713+nightly
codegen_flags: <defaults>
</compile_context>

<pallas_src>
import jax
import jax.numpy as jnp
from jax import lax
from jax.experimental import pallas as pl
from jax.experimental.pallas import tpu as pltpu
from jax.experimental.pallas import tpu_sc as plsc

L = 2048
H = 16
TT = 4096
NC = 2
NS = 16
BLK = 8
NBUF = 4
VL = 16
ROWS_PER_W = (H * L) // (NC * NS)


def _sc_body(tt_hbm, out_hbm, tt_v, stage, sem_in, sem_out):
    cid = lax.axis_index("c")
    sid = lax.axis_index("s")
    wid = sid * NC + cid
    h = wid // 2
    half = wid % 2
    base_i = half * ROWS_PER_W

    pltpu.async_copy(tt_hbm.at[pl.ds(h * TT, TT)], tt_v, sem_in).wait()

    def assemble(buf, i0):
        o0 = (L - 1) - i0

        @plsc.parallel_loop(0, L // VL, unroll=4)
        def _(c):
            s = c * VL
            for rr in range(BLK):
                stage[buf, rr, pl.ds(s, VL)] = tt_v[pl.ds(o0 - rr + s, VL)]

    def drain_one():
        pltpu.make_async_copy(
            stage.at[0],
            out_hbm.at[0, 0, pl.ds(0, BLK)],
            sem_out,
        ).wait()

    n_pairs = ROWS_PER_W // BLK // NBUF

    def loop_body(g, carry):
        for buf in range(NBUF):
            i0 = base_i + (g * NBUF + buf) * BLK

            @pl.when(g > 0)
            def _():
                drain_one()

            assemble(buf, i0)
            pltpu.async_copy(
                stage.at[buf],
                out_hbm.at[0, h, pl.ds(pl.multiple_of(i0, BLK), BLK)],
                sem_out,
            )
        return carry

    lax.fori_loop(0, n_pairs, loop_body, 0)
    for _ in range(NBUF):
        drain_one()


@jax.jit
def _run_sc(tt):
    mesh = plsc.VectorSubcoreMesh(
        core_axis_name="c", subcore_axis_name="s", num_cores=NC, num_subcores=NS
    )
    return pl.kernel(
        _sc_body,
        out_type=jax.ShapeDtypeStruct((1, H, L, L), jnp.float32),
        mesh=mesh,
        scratch_types=[
            pltpu.VMEM((TT,), jnp.float32),
            pltpu.VMEM((NBUF, BLK, L), jnp.float32),
            pltpu.SemaphoreType.DMA,
            pltpu.SemaphoreType.DMA,
        ],
    )(tt)


def kernel(x, bias_table):
    del x
    tt = jnp.transpose(jnp.pad(bias_table, ((0, TT - (2 * L - 1)), (0, 0))))
    return _run_sc(tt.reshape(H * TT))

# --- scband reference (transcript-rebuilt; emitter-appended) ---
"""Pipeline reference for scband-rel-pos-bias1-d-53102975647877 (READ-ONLY COPY).

The authoritative reference and input builder live on the scoring server;
editing this copy changes nothing except your own understanding.
"""

import jax, jax.numpy as jnp
import numpy as np

SEQ_LEN = 2048
NUM_HEADS = 16
D_MODEL = 1024

def setup_inputs(seed: int = 0) -> dict:
    key = jax.random.key(seed)
    k1, k2 = jax.random.split(key)
    x = jax.random.normal(k1, (1, SEQ_LEN, D_MODEL), dtype=jnp.float32)
    # learned parameter: bias_table of shape (2*L-1, H), trunc-normal std=0.02 approximated by normal*0.02
    bias_table = jax.random.normal(k2, (2 * SEQ_LEN - 1, NUM_HEADS), dtype=jnp.float32) * 0.02
    return {"x": x, "bias_table": bias_table}

def reference(x, bias_table):
    L = SEQ_LEN
    coords = jnp.arange(L)
    rel = coords[None, :] - coords[:, None]
    rel = rel + (L - 1)  # int index table, values in [0, 2L-2]
    # gather: table lookup -> (L*L, H) -> (L, L, H)
    bias = jnp.take(bias_table, rel.reshape(-1), axis=0).reshape(L, L, NUM_HEADS)
    # permute to (1, H, L, L)
    return jnp.transpose(bias, (2, 0, 1))[None, ...]

if __name__ == "__main__":
    import jax
    _d = setup_inputs()
    print(jax.jit(kernel)(*tuple(_d.values())))

</pallas_src>

<mosaic_0001>
#map = affine_map<(d0, d1) -> (0)>
#map1 = affine_map<(d0, d1) -> (0, 0, 0, 0)>
module attributes {stable_mosaic.version = 14 : i64} {
  func.func @_sc_body(%arg0: i32, %arg1: i32, %arg2: memref<65536xf32, #tpu.memory_space<hbm>>, %arg3: memref<1x16x2048x2048xf32, #tpu.memory_space<hbm>>, %arg4: memref<4096xf32, #tpu.memory_space<vmem>>, %arg5: memref<4x8x2048xf32, #tpu.memory_space<vmem>>, %arg6: memref<!tpu.dma_semaphore, #tpu.memory_space<semaphore_mem>>, %arg7: memref<!tpu.dma_semaphore, #tpu.memory_space<semaphore_mem>>) attributes {dimension_semantics = [#tpu.dimension_semantics<core_parallel>, #tpu.dimension_semantics<subcore_parallel>], iteration_bounds = array<i64: 2, 16>, scalar_prefetch = 0 : i64, scratch_operands = 4 : i64, tpu.core_type = #tpu.core_type<sc_vector_subcore>, window_params = [{transform_indices = #map}, {transform_indices = #map1}]} {
    %mul3A = arith.constant 2 : i32
    %mul3A_0 = arith.muli %arg1, %mul3A : i32
    %add3A = arith.addi %mul3A_0, %arg0 : i32
    %jit3A = arith.constant 2 : i32
    %div3A = arith.divsi %add3A, %jit3A : i32
    %sign3A = arith.constant 0 : i32
    %sign3A_1 = arith.cmpi sgt, %add3A, %sign3A : i32
    %sign3A_2 = arith.extui %sign3A_1 : i1 to i32
    %sign3A_3 = arith.constant 0 : i32
    %sign3A_4 = arith.cmpi slt, %add3A, %sign3A_3 : i32
    %sign3A_5 = arith.extui %sign3A_4 : i1 to i32
    %sign3A_6 = arith.subi %sign3A_2, %sign3A_5 : i32
    %sign3A_7 = arith.constant 0 : i32
    %sign3A_8 = arith.cmpi sgt, %jit3A, %sign3A_7 : i32
    %sign3A_9 = arith.extui %sign3A_8 : i1 to i32
    %sign3A_10 = arith.constant 0 : i32
    %sign3A_11 = arith.cmpi slt, %jit3A, %sign3A_10 : i32
    %sign3A_12 = arith.extui %sign3A_11 : i1 to i32
    %sign3A_13 = arith.subi %sign3A_9, %sign3A_12 : i32
    %ne3A = arith.cmpi ne, %sign3A_6, %sign3A_13 : i32
    %rem3A = arith.remsi %add3A, %jit3A : i32
    %ne3A_14 = arith.constant 0 : i32
    %ne3A_15 = arith.cmpi ne, %rem3A, %ne3A_14 : i32
    %and3A = arith.andi %ne3A, %ne3A_15 : i1
    %sub3A = arith.constant 1 : i32
    %sub3A_16 = arith.subi %div3A, %sub3A : i32
    %select_n3A = arith.select %and3A, %sub3A_16, %div3A : i32
    %jit3A_17 = arith.constant 2 : i32
    %eq3A = arith.constant 0 : i32
    %eq3A_18 = arith.cmpi eq, %jit3A_17, %eq3A : i32
    %jit3A_19 = arith.constant 1 : i32
    %select_n3A_20 = arith.select %eq3A_18, %jit3A_19, %jit3A_17 : i32
    %rem3A_21 = arith.remsi %add3A, %select_n3A_20 : i32
    %ne3A_22 = arith.constant 0 : i32
    %ne3A_23 = arith.cmpi ne, %rem3A_21, %ne3A_22 : i32
    %lt3A = arith.constant 0 : i32
    %lt3A_24 = arith.cmpi slt, %rem3A_21, %lt3A : i32
    %lt3A_25 = arith.constant 0 : i32
    %lt3A_26 = arith.cmpi slt, %select_n3A_20, %lt3A_25 : i32
    %ne3A_27 = arith.xori %lt3A_24, %lt3A_26 : i1
    %and3A_28 = arith.andi %ne3A_27, %ne3A_23 : i1
    %add3A_29 = arith.addi %rem3A_21, %select_n3A_20 : i32
    %select_n3A_30 = arith.select %and3A_28, %add3A_29, %rem3A_21 : i32
    %mul3A_31 = arith.constant 1024 : i32
    %mul3A_32 = arith.muli %select_n3A_30, %mul3A_31 : i32
    %mul3A_33 = arith.constant 4096 : i32
    %mul3A_34 = arith.muli %select_n3A, %mul3A_33 : i32
    %dma_start3A = tpu.memref_slice %arg2[%mul3A_34] : memref<65536xf32, #tpu.memory_space<hbm>> -> memref<4096xf32, #tpu.memory_space<hbm>>
    %dma_start3A_35 = tpu.memref_slice %arg2[%mul3A_34] : memref<65536xf32, #tpu.memory_space<hbm>> -> memref<4096xf32, #tpu.memory_space<hbm>>
    tpu.enqueue_dma source(%dma_start3A_35 : memref<4096xf32, #tpu.memory_space<hbm>>) target(%arg4 : memref<4096xf32, #tpu.memory_space<vmem>>) target_semaphore(%arg6 : memref<!tpu.dma_semaphore, #tpu.memory_space<semaphore_mem>>)
    %dma_wait3A = tpu.memref_slice %arg2[%mul3A_34] : memref<65536xf32, #tpu.memory_space<hbm>> -> memref<4096xf32, #tpu.memory_space<hbm>>
    %dma_wait3A_36 = tpu.memref_slice %arg2[%mul3A_34] : memref<65536xf32, #tpu.memory_space<hbm>> -> memref<4096xf32, #tpu.memory_space<hbm>>
    tpu.wait_dma2 semaphore(%arg6 : memref<!tpu.dma_semaphore, #tpu.memory_space<semaphore_mem>>) src(%dma_wait3A_36 : memref<4096xf32, #tpu.memory_space<hbm>>) dst(%arg4 : memref<4096xf32, #tpu.memory_space<vmem>>)
    %scan3A = arith.constant 0 : i32
    %scan3A_37 = arith.constant 0 : i32
    %scan3A_38 = arith.constant 32 : i32
    %scan3A_39 = arith.addi %scan3A_37, %scan3A_38 : i32
    %scan3A_40 = arith.constant 1 : i32
    scf.for %scan3A_118 = %scan3A_37 to %scan3A_39 step %scan3A_40  : i32 {
      %mul3A_119 = arith.constant 4 : i32
      %mul3A_120 = arith.muli %scan3A_118, %mul3A_119 : i32
      %add3A_121 = arith.constant 0 : i32
      %add3A_122 = arith.addi %mul3A_120, %add3A_121 : i32
      %mul3A_123 = arith.constant 8 : i32
      %mul3A_124 = arith.muli %add3A_122, %mul3A_123 : i32
      %add3A_125 = arith.addi %mul3A_32, %mul3A_124 : i32
      %gt3A = arith.constant 0 : i32
      %gt3A_126 = arith.cmpi sgt, %scan3A_118, %gt3A : i32
      %convert_element_type3A = arith.extui %gt3A_126 : i1 to i32
      %cond3A = arith.constant 0 : i32
      %cond3A_127 = arith.cmpi ne, %convert_element_type3A, %cond3A : i32
      scf.if %cond3A_127 {
        %dma_wait3A_250 = arith.constant 0 : i32
        %dma_wait3A_251 = arith.constant 0 : i32
        %dma_wait3A_252 = arith.constant 0 : i32
        %dma_wait3A_253 = arith.constant 0 : i32
        %dma_wait3A_254 = arith.constant 0 : i32
        %dma_wait3A_255 = tpu.memref_slice %arg5[%dma_wait3A_250, %dma_wait3A_253, %dma_wait3A_254] : memref<4x8x2048xf32, #tpu.memory_space<vmem>> -> memref<1x8x2048xf32, #tpu.memory_space<vmem>>
        %dma_wait3A_256 = tpu.memref_squeeze %dma_wait3A_255 : memref<1x8x2048xf32, #tpu.memory_space<vmem>> -> memref<8x2048xf32, #tpu.memory_space<vmem>>
        %dma_wait3A_257 = arith.constant 0 : i32
        %dma_wait3A_258 = arith.constant 0 : i32
        %dma_wait3A_259 = tpu.memref_slice %arg3[%dma_wait3A_251, %dma_wait3A_252, %dma_wait3A_257, %dma_wait3A_258] : memref<1x16x2048x2048xf32, #tpu.memory_space<hbm>> -> memref<1x1x8x2048xf32, #tpu.memory_space<hbm>>
        %dma_wait3A_260 = tpu.memref_squeeze %dma_wait3A_259 : memref<1x1x8x2048xf32, #tpu.memory_space<hbm>> -> memref<8x2048xf32, #tpu.memory_space<hbm>>
        %dma_wait3A_261 = arith.constant 0 : i32
        %dma_wait3A_262 = arith.constant 0 : i32
        %dma_wait3A_263 = tpu.memref_slice %arg3[%dma_wait3A_251, %dma_wait3A_252, %dma_wait3A_261, %dma_wait3A_262] : memref<1x16x2048x2048xf32, #tpu.memory_space<hbm>> -> memref<1x1x8x2048xf32, #tpu.memory_space<hbm>>
        %dma_wait3A_264 = tpu.memref_squeeze %dma_wait3A_263 : memref<1x1x8x2048xf32, #tpu.memory_space<hbm>> -> memref<8x2048xf32, #tpu.memory_space<hbm>>
        %dma_wait3A_265 = arith.constant 0 : i32
        %dma_wait3A_266 = arith.constant 0 : i32
        %dma_wait3A_267 = tpu.memref_slice %arg5[%dma_wait3A_250, %dma_wait3A_265, %dma_wait3A_266] : memref<4x8x2048xf32, #tpu.memory_space<vmem>> -> memref<1x8x2048xf32, #tpu.memory_space<vmem>>
        %dma_wait3A_268 = tpu.memref_squeeze %dma_wait3A_267 : memref<1x8x2048xf32, #tpu.memory_space<vmem>> -> memref<8x2048xf32, #tpu.memory_space<vmem>>
        tpu.wait_dma2 semaphore(%arg7 : memref<!tpu.dma_semaphore, #tpu.memory_space<semaphore_mem>>) src(%dma_wait3A_268 : memref<8x2048xf32, #tpu.memory_space<vmem>>) dst(%dma_wait3A_264 : memref<8x2048xf32, #tpu.memory_space<hbm>>)
      } else {
      }
      %sub3A_128 = arith.constant 2047 : i32
      %sub3A_129 = arith.subi %sub3A_128, %add3A_125 : i32
      %parallel_loop3A = arith.constant 0 : i32
      %parallel_loop3A_130 = arith.constant 128 : i32
      %parallel_loop3A_131 = arith.constant 1 : i32
      scf.for %parallel_loop3A_250 = %parallel_loop3A to %parallel_loop3A_130 step %parallel_loop3A_131  : i32 {
        %parallel_loop3A_251 = arith.constant 16 : i32
        %parallel_loop3A_252 = arith.muli %parallel_loop3A_250, %parallel_loop3A_251 : i32
        %parallel_loop3A_253 = arith.constant 0 : i32
        %parallel_loop3A_254 = arith.subi %sub3A_129, %parallel_loop3A_253 : i32
        %parallel_loop3A_255 = arith.addi %parallel_loop3A_254, %parallel_loop3A_252 : i32
        %parallel_loop3A_256 = arith.index_cast %parallel_loop3A_255 : i32 to index
        %parallel_loop3A_257 = tpu.vector_load %arg4[%parallel_loop3A_256] {strides = array<i32>} : memref<4096xf32, #tpu.memory_space<vmem>>, vector<16xf32>,
        %parallel_loop3A_258 = vector.shape_cast %parallel_loop3A_257 : vector<16xf32> to vector<16xf32>
        %parallel_loop3A_259 = arith.constant 0 : i32
        %parallel_loop3A_260 = arith.constant 0 : i32
        %parallel_loop3A_261 = arith.index_cast %parallel_loop3A_259 : i32 to index
        %parallel_loop3A_262 = arith.index_cast %parallel_loop3A_260 : i32 to index
        %parallel_loop3A_263 = arith.index_cast %parallel_loop3A_252 : i32 to index
        %parallel_loop3A_264 = tpu.vector_load %arg5[%parallel_loop3A_261, %parallel_loop3A_262, %parallel_loop3A_263] {strides = array<i32>} : memref<4x8x2048xf32, #tpu.memory_space<vmem>>, vector<1x1x16xf32>,
        %parallel_loop3A_265 = vector.shape_cast %parallel_loop3A_264 : vector<1x1x16xf32> to vector<16xf32>
        %parallel_loop3A_266 = vector.shape_cast %parallel_loop3A_258 : vector<16xf32> to vector<1x1x16xf32>
        tpu.vector_store %arg5[%parallel_loop3A_261, %parallel_loop3A_262, %parallel_loop3A_263], %parallel_loop3A_266 {strides = array<i32>} : memref<4x8x2048xf32, #tpu.memory_space<vmem>>, vector<1x1x16xf32>,
        %parallel_loop3A_267 = arith.constant 1 : i32
        %parallel_loop3A_268 = arith.subi %sub3A_129, %parallel_loop3A_267 : i32
        %parallel_loop3A_269 = arith.addi %parallel_loop3A_268, %parallel_loop3A_252 : i32
        %parallel_loop3A_270 = arith.index_cast %parallel_loop3A_269 : i32 to index
        %parallel_loop3A_271 = tpu.vector_load %arg4[%parallel_loop3A_270] {strides = array<i32>} : memref<4096xf32, #tpu.memory_space<vmem>>, vector<16xf32>,
        %parallel_loop3A_272 = vector.shape_cast %parallel_loop3A_271 : vector<16xf32> to vector<16xf32>
        %parallel_loop3A_273 = arith.constant 0 : i32
        %parallel_loop3A_274 = arith.constant 1 : i32
        %parallel_loop3A_275 = arith.index_cast %parallel_loop3A_273 : i32 to index
        %parallel_loop3A_276 = arith.index_cast %parallel_loop3A_274 : i32 to index
        %parallel_loop3A_277 = arith.index_cast %parallel_loop3A_252 : i32 to index
        %parallel_loop3A_278 = tpu.vector_load %arg5[%parallel_loop3A_275, %parallel_loop3A_276, %parallel_loop3A_277] {strides = array<i32>} : memref<4x8x2048xf32, #tpu.memory_space<vmem>>, vector<1x1x16xf32>,
        %parallel_loop3A_279 = vector.shape_cast %parallel_loop3A_278 : vector<1x1x16xf32> to vector<16xf32>
        %parallel_loop3A_280 = vector.shape_cast %parallel_loop3A_272 : vector<16xf32> to vector<1x1x16xf32>
        tpu.vector_store %arg5[%parallel_loop3A_275, %parallel_loop3A_276, %parallel_loop3A_277], %parallel_loop3A_280 {strides = array<i32>} : memref<4x8x2048xf32, #tpu.memory_space<vmem>>, vector<1x1x16xf32>,
        %parallel_loop3A_281 = arith.constant 2 : i32
        %parallel_loop3A_282 = arith.subi %sub3A_129, %parallel_loop3A_281 : i32
        %parallel_loop3A_283 = arith.addi %parallel_loop3A_282, %parallel_loop3A_252 : i32
        %parallel_loop3A_284 = arith.index_cast %parallel_loop3A_283 : i32 to index
        %parallel_loop3A_285 = tpu.vector_load %arg4[%parallel_loop3A_284] {strides = array<i32>} : memref<4096xf32, #tpu.memory_space<vmem>>, vector<16xf32>,
        %parallel_loop3A_286 = vector.shape_cast %parallel_loop3A_285 : vector<16xf32> to vector<16xf32>
        %parallel_loop3A_287 = arith.constant 0 : i32
        %parallel_loop3A_288 = arith.constant 2 : i32
        %parallel_loop3A_289 = arith.index_cast %parallel_loop3A_287 : i32 to index
        %parallel_loop3A_290 = arith.index_cast %parallel_loop3A_288 : i32 to index
        %parallel_loop3A_291 = arith.index_cast %parallel_loop3A_252 : i32 to index
        %parallel_loop3A_292 = tpu.vector_load %arg5[%parallel_loop3A_289, %parallel_loop3A_290, %parallel_loop3A_291] {strides = array<i32>} : memref<4x8x2048xf32, #tpu.memory_space<vmem>>, vector<1x1x16xf32>,
        %parallel_loop3A_293 = vector.shape_cast %parallel_loop3A_292 : vector<1x1x16xf32> to vector<16xf32>
        %parallel_loop3A_294 = vector.shape_cast %parallel_loop3A_286 : vector<16xf32> to vector<1x1x16xf32>
        tpu.vector_store %arg5[%parallel_loop3A_289, %parallel_loop3A_290, %parallel_loop3A_291], %parallel_loop3A_294 {strides = array<i32>} : memref<4x8x2048xf32, #tpu.memory_space<vmem>>, vector<1x1x16xf32>,
        %parallel_loop3A_295 = arith.constant 3 : i32
        %parallel_loop3A_296 = arith.subi %sub3A_129, %parallel_loop3A_295 : i32
        %parallel_loop3A_297 = arith.addi %parallel_loop3A_296, %parallel_loop3A_252 : i32
        %parallel_loop3A_298 = arith.index_cast %parallel_loop3A_297 : i32 to index
        %parallel_loop3A_299 = tpu.vector_load %arg4[%parallel_loop3A_298] {strides = array<i32>} : memref<4096xf32, #tpu.memory_space<vmem>>, vector<16xf32>,
        %parallel_loop3A_300 = vector.shape_cast %parallel_loop3A_299 : vector<16xf32> to vector<16xf32>
        %parallel_loop3A_301 = arith.constant 0 : i32
        %parallel_loop3A_302 = arith.constant 3 : i32
        %parallel_loop3A_303 = arith.index_cast %parallel_loop3A_301 : i32 to index
        %parallel_loop3A_304 = arith.index_cast %parallel_loop3A_302 : i32 to index
        %parallel_loop3A_305 = arith.index_cast %parallel_loop3A_252 : i32 to index
        %parallel_loop3A_306 = tpu.vector_load %arg5[%parallel_loop3A_303, %parallel_loop3A_304, %parallel_loop3A_305] {strides = array<i32>} : memref<4x8x2048xf32, #tpu.memory_space<vmem>>, vector<1x1x16xf32>,
        %parallel_loop3A_307 = vector.shape_cast %parallel_loop3A_306 : vector<1x1x16xf32> to vector<16xf32>
        %parallel_loop3A_308 = vector.shape_cast %parallel_loop3A_300 : vector<16xf32> to vector<1x1x16xf32>
        tpu.vector_store %arg5[%parallel_loop3A_303, %parallel_loop3A_304, %parallel_loop3A_305], %parallel_loop3A_308 {strides = array<i32>} : memref<4x8x2048xf32, #tpu.memory_space<vmem>>, vector<1x1x16xf32>,
        %parallel_loop3A_309 = arith.constant 4 : i32
        %parallel_loop3A_310 = arith.subi %sub3A_129, %parallel_loop3A_309 : i32
        %parallel_loop3A_311 = arith.addi %parallel_loop3A_310, %parallel_loop3A_252 : i32
        %parallel_loop3A_312 = arith.index_cast %parallel_loop3A_311 : i32 to index
        %parallel_loop3A_313 = tpu.vector_load %arg4[%parallel_loop3A_312] {strides = array<i32>} : memref<4096xf32, #tpu.memory_space<vmem>>, vector<16xf32>,
        %parallel_loop3A_314 = vector.shape_cast %parallel_loop3A_313 : vector<16xf32> to vector<16xf32>
        %parallel_loop3A_315 = arith.constant 0 : i32
        %parallel_loop3A_316 = arith.constant 4 : i32
        %parallel_loop3A_317 = arith.index_cast %parallel_loop3A_315 : i32 to index
        %parallel_loop3A_318 = arith.index_cast %parallel_loop3A_316 : i32 to index
        %parallel_loop3A_319 = arith.index_cast %parallel_loop3A_252 : i32 to index
        %parallel_loop3A_320 = tpu.vector_load %arg5[%parallel_loop3A_317, %parallel_loop3A_318, %parallel_loop3A_319] {strides = array<i32>} : memref<4x8x2048xf32, #tpu.memory_space<vmem>>, vector<1x1x16xf32>,
        %parallel_loop3A_321 = vector.shape_cast %parallel_loop3A_320 : vector<1x1x16xf32> to vector<16xf32>
        %parallel_loop3A_322 = vector.shape_cast %parallel_loop3A_314 : vector<16xf32> to vector<1x1x16xf32>
        tpu.vector_store %arg5[%parallel_loop3A_317, %parallel_loop3A_318, %parallel_loop3A_319], %parallel_loop3A_322 {strides = array<i32>} : memref<4x8x2048xf32, #tpu.memory_space<vmem>>, vector<1x1x16xf32>,
        %parallel_loop3A_323 = arith.constant 5 : i32
        %parallel_loop3A_324 = arith.subi %sub3A_129, %parallel_loop3A_323 : i32
        %parallel_loop3A_325 = arith.addi %parallel_loop3A_324, %parallel_loop3A_252 : i32
        %parallel_loop3A_326 = arith.index_cast %parallel_loop3A_325 : i32 to index
        %parallel_loop3A_327 = tpu.vector_load %arg4[%parallel_loop3A_326] {strides = array<i32>} : memref<4096xf32, #tpu.memory_space<vmem>>, vector<16xf32>,
        %parallel_loop3A_328 = vector.shape_cast %parallel_loop3A_327 : vector<16xf32> to vector<16xf32>
        %parallel_loop3A_329 = arith.constant 0 : i32
        %parallel_loop3A_330 = arith.constant 5 : i32
        %parallel_loop3A_331 = arith.index_cast %parallel_loop3A_329 : i32 to index
        %parallel_loop3A_332 = arith.index_cast %parallel_loop3A_330 : i32 to index
        %parallel_loop3A_333 = arith.index_cast %parallel_loop3A_252 : i32 to index
        %parallel_loop3A_334 = tpu.vector_load %arg5[%parallel_loop3A_331, %parallel_loop3A_332, %parallel_loop3A_333] {strides = array<i32>} : memref<4x8x2048xf32, #tpu.memory_space<vmem>>, vector<1x1x16xf32>,
        %parallel_loop3A_335 = vector.shape_cast %parallel_loop3A_334 : vector<1x1x16xf32> to vector<16xf32>
        %parallel_loop3A_336 = vector.shape_cast %parallel_loop3A_328 : vector<16xf32> to vector<1x1x16xf32>
        tpu.vector_store %arg5[%parallel_loop3A_331, %parallel_loop3A_332, %parallel_loop3A_333], %parallel_loop3A_336 {strides = array<i32>} : memref<4x8x2048xf32, #tpu.memory_space<vmem>>, vector<1x1x16xf32>,
        %parallel_loop3A_337 = arith.constant 6 : i32
        %parallel_loop3A_338 = arith.subi %sub3A_129, %parallel_loop3A_337 : i32
        %parallel_loop3A_339 = arith.addi %parallel_loop3A_338, %parallel_loop3A_252 : i32
        %parallel_loop3A_340 = arith.index_cast %parallel_loop3A_339 : i32 to index
        %parallel_loop3A_341 = tpu.vector_load %arg4[%parallel_loop3A_340] {strides = array<i32>} : memref<4096xf32, #tpu.memory_space<vmem>>, vector<16xf32>,
        %parallel_loop3A_342 = vector.shape_cast %parallel_loop3A_341 : vector<16xf32> to vector<16xf32>
        %parallel_loop3A_343 = arith.constant 0 : i32
        %parallel_loop3A_344 = arith.constant 6 : i32
        %parallel_loop3A_345 = arith.index_cast %parallel_loop3A_343 : i32 to index
        %parallel_loop3A_346 = arith.index_cast %parallel_loop3A_344 : i32 to index
        %parallel_loop3A_347 = arith.index_cast %parallel_loop3A_252 : i32 to index
        %parallel_loop3A_348 = tpu.vector_load %arg5[%parallel_loop3A_345, %parallel_loop3A_346, %parallel_loop3A_347] {strides = array<i32>} : memref<4x8x2048xf32, #tpu.memory_space<vmem>>, vector<1x1x16xf32>,
        %parallel_loop3A_349 = vector.shape_cast %parallel_loop3A_348 : vector<1x1x16xf32> to vector<16xf32>
        %parallel_loop3A_350 = vector.shape_cast %parallel_loop3A_342 : vector<16xf32> to vector<1x1x16xf32>
        tpu.vector_store %arg5[%parallel_loop3A_345, %parallel_loop3A_346, %parallel_loop3A_347], %parallel_loop3A_350 {strides = array<i32>} : memref<4x8x2048xf32, #tpu.memory_space<vmem>>, vector<1x1x16xf32>,
        %parallel_loop3A_351 = arith.constant 7 : i32
        %parallel_loop3A_352 = arith.subi %sub3A_129, %parallel_loop3A_351 : i32
        %parallel_loop3A_353 = arith.addi %parallel_loop3A_352, %parallel_loop3A_252 : i32
        %parallel_loop3A_354 = arith.index_cast %parallel_loop3A_353 : i32 to index
        %parallel_loop3A_355 = tpu.vector_load %arg4[%parallel_loop3A_354] {strides = array<i32>} : memref<4096xf32, #tpu.memory_space<vmem>>, vector<16xf32>,
        %parallel_loop3A_356 = vector.shape_cast %parallel_loop3A_355 : vector<16xf32> to vector<16xf32>
        %parallel_loop3A_357 = arith.constant 0 : i32
        %parallel_loop3A_358 = arith.constant 7 : i32
        %parallel_loop3A_359 = arith.index_cast %parallel_loop3A_357 : i32 to index
        %parallel_loop3A_360 = arith.index_cast %parallel_loop3A_358 : i32 to index
        %parallel_loop3A_361 = arith.index_cast %parallel_loop3A_252 : i32 to index
        %parallel_loop3A_362 = tpu.vector_load %arg5[%parallel_loop3A_359, %parallel_loop3A_360, %parallel_loop3A_361] {strides = array<i32>} : memref<4x8x2048xf32, #tpu.memory_space<vmem>>, vector<1x1x16xf32>,
        %parallel_loop3A_363 = vector.shape_cast %parallel_loop3A_362 : vector<1x1x16xf32> to vector<16xf32>
        %parallel_loop3A_364 = vector.shape_cast %parallel_loop3A_356 : vector<16xf32> to vector<1x1x16xf32>
        tpu.vector_store %arg5[%parallel_loop3A_359, %parallel_loop3A_360, %parallel_loop3A_361], %parallel_loop3A_364 {strides = array<i32>} : memref<4x8x2048xf32, #tpu.memory_space<vmem>>, vector<1x1x16xf32>,
      } {sc.loop_unroll_factor = 4 : i64, sc.parallel_access}
      %multiple_of3A = tpu.assume_multiple %add3A_125, 8 : i32
      %dma_start3A_132 = arith.constant 0 : i32
      %dma_start3A_133 = arith.constant 0 : i32
      %dma_start3A_134 = arith.constant 0 : i32
      %dma_start3A_135 = arith.constant 0 : i32
      %dma_start3A_136 = tpu.memref_slice %arg5[%dma_start3A_132, %dma_start3A_134, %dma_start3A_135] : memref<4x8x2048xf32, #tpu.memory_space<vmem>> -> memref<1x8x2048xf32, #tpu.memory_space<vmem>>
      %dma_start3A_137 = tpu.memref_squeeze %dma_start3A_136 : memref<1x8x2048xf32, #tpu.memory_space<vmem>> -> memref<8x2048xf32, #tpu.memory_space<vmem>>
      %dma_start3A_138 = arith.constant 0 : i32
      %dma_start3A_139 = tpu.memref_slice %arg3[%dma_start3A_133, %select_n3A, %multiple_of3A, %dma_start3A_138] : memref<1x16x2048x2048xf32, #tpu.memory_space<hbm>> -> memref<1x1x8x2048xf32, #tpu.memory_space<hbm>>
      %dma_start3A_140 = tpu.memref_squeeze %dma_start3A_139 : memref<1x1x8x2048xf32, #tpu.memory_space<hbm>> -> memref<8x2048xf32, #tpu.memory_space<hbm>>
      %dma_start3A_141 = arith.constant 0 : i32
      %dma_start3A_142 = tpu.memref_slice %arg3[%dma_start3A_133, %select_n3A, %multiple_of3A, %dma_start3A_141] : memref<1x16x2048x2048xf32, #tpu.memory_space<hbm>> -> memref<1x1x8x2048xf32, #tpu.memory_space<hbm>>
      %dma_start3A_143 = tpu.memref_squeeze %dma_start3A_142 : memref<1x1x8x2048xf32, #tpu.memory_space<hbm>> -> memref<8x2048xf32, #tpu.memory_space<hbm>>
      %dma_start3A_144 = arith.constant 0 : i32
      %dma_start3A_145 = arith.constant 0 : i32
      %dma_start3A_146 = tpu.memref_slice %arg5[%dma_start3A_132, %dma_start3A_144, %dma_start3A_145] : memref<4x8x2048xf32, #tpu.memory_space<vmem>> -> memref<1x8x2048xf32, #tpu.memory_space<vmem>>
      %dma_start3A_147 = tpu.memref_squeeze %dma_start3A_146 : memref<1x8x2048xf32, #tpu.memory_space<vmem>> -> memref<8x2048xf32, #tpu.memory_space<vmem>>
      tpu.enqueue_dma source(%dma_start3A_147 : memref<8x2048xf32, #tpu.memory_space<vmem>>) target(%dma_start3A_143 : memref<8x2048xf32, #tpu.memory_space<hbm>>) target_semaphore(%arg7 : memref<!tpu.dma_semaphore, #tpu.memory_space<semaphore_mem>>)
      %mul3A_148 = arith.constant 4 : i32
      %mul3A_149 = arith.muli %scan3A_118, %mul3A_148 : i32
      %add3A_150 = arith.constant 1 : i32
      %add3A_151 = arith.addi %mul3A_149, %add3A_150 : i32
      %mul3A_152 = arith.constant 8 : i32
      %mul3A_153 = arith.muli %add3A_151, %mul3A_152 : i32
      %add3A_154 = arith.addi %mul3A_32, %mul3A_153 : i32
      %gt3A_155 = arith.constant 0 : i32
      %gt3A_156 = arith.cmpi sgt, %scan3A_118, %gt3A_155 : i32
      %convert_element_type3A_157 = arith.extui %gt3A_156 : i1 to i32
      %cond3A_158 = arith.constant 0 : i32
      %cond3A_159 = arith.cmpi ne, %convert_element_type3A_157, %cond3A_158 : i32
      scf.if %cond3A_159 {
        %dma_wait3A_250 = arith.constant 0 : i32
        %dma_wait3A_251 = arith.constant 0 : i32
        %dma_wait3A_252 = arith.constant 0 : i32
        %dma_wait3A_253 = arith.constant 0 : i32
        %dma_wait3A_254 = arith.constant 0 : i32
        %dma_wait3A_255 = tpu.memref_slice %arg5[%dma_wait3A_250, %dma_wait3A_253, %dma_wait3A_254] : memref<4x8x2048xf32, #tpu.memory_space<vmem>> -> memref<1x8x2048xf32, #tpu.memory_space<vmem>>
        %dma_wait3A_256 = tpu.memref_squeeze %dma_wait3A_255 : memref<1x8x2048xf32, #tpu.memory_space<vmem>> -> memref<8x2048xf32, #tpu.memory_space<vmem>>
        %dma_wait3A_257 = arith.constant 0 : i32
        %dma_wait3A_258 = arith.constant 0 : i32
        %dma_wait3A_259 = tpu.memref_slice %arg3[%dma_wait3A_251, %dma_wait3A_252, %dma_wait3A_257, %dma_wait3A_258] : memref<1x16x2048x2048xf32, #tpu.memory_space<hbm>> -> memref<1x1x8x2048xf32, #tpu.memory_space<hbm>>
        %dma_wait3A_260 = tpu.memref_squeeze %dma_wait3A_259 : memref<1x1x8x2048xf32, #tpu.memory_space<hbm>> -> memref<8x2048xf32, #tpu.memory_space<hbm>>
        %dma_wait3A_261 = arith.constant 0 : i32
        %dma_wait3A_262 = arith.constant 0 : i32
        %dma_wait3A_263 = tpu.memref_slice %arg3[%dma_wait3A_251, %dma_wait3A_252, %dma_wait3A_261, %dma_wait3A_262] : memref<1x16x2048x2048xf32, #tpu.memory_space<hbm>> -> memref<1x1x8x2048xf32, #tpu.memory_space<hbm>>
        %dma_wait3A_264 = tpu.memref_squeeze %dma_wait3A_263 : memref<1x1x8x2048xf32, #tpu.memory_space<hbm>> -> memref<8x2048xf32, #tpu.memory_space<hbm>>
        %dma_wait3A_265 = arith.constant 0 : i32
        %dma_wait3A_266 = arith.constant 0 : i32
        %dma_wait3A_267 = tpu.memref_slice %arg5[%dma_wait3A_250, %dma_wait3A_265, %dma_wait3A_266] : memref<4x8x2048xf32, #tpu.memory_space<vmem>> -> memref<1x8x2048xf32, #tpu.memory_space<vmem>>
        %dma_wait3A_268 = tpu.memref_squeeze %dma_wait3A_267 : memref<1x8x2048xf32, #tpu.memory_space<vmem>> -> memref<8x2048xf32, #tpu.memory_space<vmem>>
        tpu.wait_dma2 semaphore(%arg7 : memref<!tpu.dma_semaphore, #tpu.memory_space<semaphore_mem>>) src(%dma_wait3A_268 : memref<8x2048xf32, #tpu.memory_space<vmem>>) dst(%dma_wait3A_264 : memref<8x2048xf32, #tpu.memory_space<hbm>>)
      } else {
      }
      %sub3A_160 = arith.constant 2047 : i32
      %sub3A_161 = arith.subi %sub3A_160, %add3A_154 : i32
      %parallel_loop3A_162 = arith.constant 0 : i32
      %parallel_loop3A_163 = arith.constant 128 : i32
      %parallel_loop3A_164 = arith.constant 1 : i32
      scf.for %parallel_loop3A_250 = %parallel_loop3A_162 to %parallel_loop3A_163 step %parallel_loop3A_164  : i32 {
        %parallel_loop3A_251 = arith.constant 16 : i32
        %parallel_loop3A_252 = arith.muli %parallel_loop3A_250, %parallel_loop3A_251 : i32
        %parallel_loop3A_253 = arith.constant 0 : i32
        %parallel_loop3A_254 = arith.subi %sub3A_161, %parallel_loop3A_253 : i32
        %parallel_loop3A_255 = arith.addi %parallel_loop3A_254, %parallel_loop3A_252 : i32
        %parallel_loop3A_256 = arith.index_cast %parallel_loop3A_255 : i32 to index
        %parallel_loop3A_257 = tpu.vector_load %arg4[%parallel_loop3A_256] {strides = array<i32>} : memref<4096xf32, #tpu.memory_space<vmem>>, vector<16xf32>,
        %parallel_loop3A_258 = vector.shape_cast %parallel_loop3A_257 : vector<16xf32> to vector<16xf32>
        %parallel_loop3A_259 = arith.constant 1 : i32
        %parallel_loop3A_260 = arith.constant 0 : i32
        %parallel_loop3A_261 = arith.index_cast %parallel_loop3A_259 : i32 to index
        %parallel_loop3A_262 = arith.index_cast %parallel_loop3A_260 : i32 to index
        %parallel_loop3A_263 = arith.index_cast %parallel_loop3A_252 : i32 to index
        %parallel_loop3A_264 = tpu.vector_load %arg5[%parallel_loop3A_261, %parallel_loop3A_262, %parallel_loop3A_263] {strides = array<i32>} : memref<4x8x2048xf32, #tpu.memory_space<vmem>>, vector<1x1x16xf32>,
        %parallel_loop3A_265 = vector.shape_cast %parallel_loop3A_264 : vector<1x1x16xf32> to vector<16xf32>
        %parallel_loop3A_266 = vector.shape_cast %parallel_loop3A_258 : vector<16xf32> to vector<1x1x16xf32>
        tpu.vector_store %arg5[%parallel_loop3A_261, %parallel_loop3A_262, %parallel_loop3A_263], %parallel_loop3A_266 {strides = array<i32>} : memref<4x8x2048xf32, #tpu.memory_space<vmem>>, vector<1x1x16xf32>,
        %parallel_loop3A_267 = arith.constant 1 : i32
        %parallel_loop3A_268 = arith.subi %sub3A_161, %parallel_loop3A_267 : i32
        %parallel_loop3A_269 = arith.addi %parallel_loop3A_268, %parallel_loop3A_252 : i32
        %parallel_loop3A_270 = arith.index_cast %parallel_loop3A_269 : i32 to index
        %parallel_loop3A_271 = tpu.vector_load %arg4[%parallel_loop3A_270] {strides = array<i32>} : memref<4096xf32, #tpu.memory_space<vmem>>, vector<16xf32>,
        %parallel_loop3A_272 = vector.shape_cast %parallel_loop3A_271 : vector<16xf32> to vector<16xf32>
        %parallel_loop3A_273 = arith.constant 1 : i32
        %parallel_loop3A_274 = arith.constant 1 : i32
        %parallel_loop3A_275 = arith.index_cast %parallel_loop3A_273 : i32 to index
        %parallel_loop3A_276 = arith.index_cast %parallel_loop3A_274 : i32 to index
        %parallel_loop3A_277 = arith.index_cast %parallel_loop3A_252 : i32 to index
        %parallel_loop3A_278 = tpu.vector_load %arg5[%parallel_loop3A_275, %parallel_loop3A_276, %parallel_loop3A_277] {strides = array<i32>} : memref<4x8x2048xf32, #tpu.memory_space<vmem>>, vector<1x1x16xf32>,
        %parallel_loop3A_279 = vector.shape_cast %parallel_loop3A_278 : vector<1x1x16xf32> to vector<16xf32>
        %parallel_loop3A_280 = vector.shape_cast %parallel_loop3A_272 : vector<16xf32> to vector<1x1x16xf32>
        tpu.vector_store %arg5[%parallel_loop3A_275, %parallel_loop3A_276, %parallel_loop3A_277], %parallel_loop3A_280 {strides = array<i32>} : memref<4x8x2048xf32, #tpu.memory_space<vmem>>, vector<1x1x16xf32>,
        %parallel_loop3A_281 = arith.constant 2 : i32
        %parallel_loop3A_282 = arith.subi %sub3A_161, %parallel_loop3A_281 : i32
        %parallel_loop3A_283 = arith.addi %parallel_loop3A_282, %parallel_loop3A_252 : i32
        %parallel_loop3A_284 = arith.index_cast %parallel_loop3A_283 : i32 to index
        %parallel_loop3A_285 = tpu.vector_load %arg4[%parallel_loop3A_284] {strides = array<i32>} : memref<4096xf32, #tpu.memory_space<vmem>>, vector<16xf32>,
        %parallel_loop3A_286 = vector.shape_cast %parallel_loop3A_285 : vector<16xf32> to vector<16xf32>
        %parallel_loop3A_287 = arith.constant 1 : i32
        %parallel_loop3A_288 = arith.constant 2 : i32
        %parallel_loop3A_289 = arith.index_cast %parallel_loop3A_287 : i32 to index
        %parallel_loop3A_290 = arith.index_cast %parallel_loop3A_288 : i32 to index
        %parallel_loop3A_291 = arith.index_cast %parallel_loop3A_252 : i32 to index
        %parallel_loop3A_292 = tpu.vector_load %arg5[%parallel_loop3A_289, %parallel_loop3A_290, %parallel_loop3A_291] {strides = array<i32>} : memref<4x8x2048xf32, #tpu.memory_space<vmem>>, vector<1x1x16xf32>,
        %parallel_loop3A_293 = vector.shape_cast %parallel_loop3A_292 : vector<1x1x16xf32> to vector<16xf32>
        %parallel_loop3A_294 = vector.shape_cast %parallel_loop3A_286 : vector<16xf32> to vector<1x1x16xf32>
        tpu.vector_store %arg5[%parallel_loop3A_289, %parallel_loop3A_290, %parallel_loop3A_291], %parallel_loop3A_294 {strides = array<i32>} : memref<4x8x2048xf32, #tpu.memory_space<vmem>>, vector<1x1x16xf32>,
        %parallel_loop3A_295 = arith.constant 3 : i32
        %parallel_loop3A_296 = arith.subi %sub3A_161, %parallel_loop3A_295 : i32
        %parallel_loop3A_297 = arith.addi %parallel_loop3A_296, %parallel_loop3A_252 : i32
        %parallel_loop3A_298 = arith.index_cast %parallel_loop3A_297 : i32 to index
        %parallel_loop3A_299 = tpu.vector_load %arg4[%parallel_loop3A_298] {strides = array<i32>} : memref<4096xf32, #tpu.memory_space<vmem>>, vector<16xf32>,
        %parallel_loop3A_300 = vector.shape_cast %parallel_loop3A_299 : vector<16xf32> to vector<16xf32>
        %parallel_loop3A_301 = arith.constant 1 : i32
        %parallel_loop3A_302 = arith.constant 3 : i32
        %parallel_loop3A_303 = arith.index_cast %parallel_loop3A_301 : i32 to index
        %parallel_loop3A_304 = arith.index_cast %parallel_loop3A_302 : i32 to index
        %parallel_loop3A_305 = arith.index_cast %parallel_loop3A_252 : i32 to index
        %parallel_loop3A_306 = tpu.vector_load %arg5[%parallel_loop3A_303, %parallel_loop3A_304, %parallel_loop3A_305] {strides = array<i32>} : memref<4x8x2048xf32, #tpu.memory_space<vmem>>, vector<1x1x16xf32>,
        %parallel_loop3A_307 = vector.shape_cast %parallel_loop3A_306 : vector<1x1x16xf32> to vector<16xf32>
        %parallel_loop3A_308 = vector.shape_cast %parallel_loop3A_300 : vector<16xf32> to vector<1x1x16xf32>
        tpu.vector_store %arg5[%parallel_loop3A_303, %parallel_loop3A_304, %parallel_loop3A_305], %parallel_loop3A_308 {strides = array<i32>} : memref<4x8x2048xf32, #tpu.memory_space<vmem>>, vector<1x1x16xf32>,
        %parallel_loop3A_309 = arith.constant 4 : i32
        %parallel_loop3A_310 = arith.subi %sub3A_161, %parallel_loop3A_309 : i32
        %parallel_loop3A_311 = arith.addi %parallel_loop3A_310, %parallel_loop3A_252 : i32
        %parallel_loop3A_312 = arith.index_cast %parallel_loop3A_311 : i32 to index
        %parallel_loop3A_313 = tpu.vector_load %arg4[%parallel_loop3A_312] {strides = array<i32>} : memref<4096xf32, #tpu.memory_space<vmem>>, vector<16xf32>,
        %parallel_loop3A_314 = vector.shape_cast %parallel_loop3A_313 : vector<16xf32> to vector<16xf32>
        %parallel_loop3A_315 = arith.constant 1 : i32
        %parallel_loop3A_316 = arith.constant 4 : i32
        %parallel_loop3A_317 = arith.index_cast %parallel_loop3A_315 : i32 to index
        %parallel_loop3A_318 = arith.index_cast %parallel_loop3A_316 : i32 to index
        %parallel_loop3A_319 = arith.index_cast %parallel_loop3A_252 : i32 to index
        %parallel_loop3A_320 = tpu.vector_load %arg5[%parallel_loop3A_317, %parallel_loop3A_318, %parallel_loop3A_319] {strides = array<i32>} : memref<4x8x2048xf32, #tpu.memory_space<vmem>>, vector<1x1x16xf32>,
        %parallel_loop3A_321 = vector.shape_cast %parallel_loop3A_320 : vector<1x1x16xf32> to vector<16xf32>
        %parallel_loop3A_322 = vector.shape_cast %parallel_loop3A_314 : vector<16xf32> to vector<1x1x16xf32>
        tpu.vector_store %arg5[%parallel_loop3A_317, %parallel_loop3A_318, %parallel_loop3A_319], %parallel_loop3A_322 {strides = array<i32>} : memref<4x8x2048xf32, #tpu.memory_space<vmem>>, vector<1x1x16xf32>,
        %parallel_loop3A_323 = arith.constant 5 : i32
        %parallel_loop3A_324 = arith.subi %sub3A_161, %parallel_loop3A_323 : i32
        %parallel_loop3A_325 = arith.addi %parallel_loop3A_324, %parallel_loop3A_252 : i32
        %parallel_loop3A_326 = arith.index_cast %parallel_loop3A_325 : i32 to index
        %parallel_loop3A_327 = tpu.vector_load %arg4[%parallel_loop3A_326] {strides = array<i32>} : memref<4096xf32, #tpu.memory_space<vmem>>, vector<16xf32>,
        %parallel_loop3A_328 = vector.shape_cast %parallel_loop3A_327 : vector<16xf32> to vector<16xf32>
        %parallel_loop3A_329 = arith.constant 1 : i32
        %parallel_loop3A_330 = arith.constant 5 : i32
        %parallel_loop3A_331 = arith.index_cast %parallel_loop3A_329 : i32 to index
        %parallel_loop3A_332 = arith.index_cast %parallel_loop3A_330 : i32 to index
        %parallel_loop3A_333 = arith.index_cast %parallel_loop3A_252 : i32 to index
        %parallel_loop3A_334 = tpu.vector_load %arg5[%parallel_loop3A_331, %parallel_loop3A_332, %parallel_loop3A_333] {strides = array<i32>} : memref<4x8x2048xf32, #tpu.memory_space<vmem>>, vector<1x1x16xf32>,
        %parallel_loop3A_335 = vector.shape_cast %parallel_loop3A_334 : vector<1x1x16xf32> to vector<16xf32>
        %parallel_loop3A_336 = vector.shape_cast %parallel_loop3A_328 : vector<16xf32> to vector<1x1x16xf32>
        tpu.vector_store %arg5[%parallel_loop3A_331, %parallel_loop3A_332, %parallel_loop3A_333], %parallel_loop3A_336 {strides = array<i32>} : memref<4x8x2048xf32, #tpu.memory_space<vmem>>, vector<1x1x16xf32>,
        %parallel_loop3A_337 = arith.constant 6 : i32
        %parallel_loop3A_338 = arith.subi %sub3A_161, %parallel_loop3A_337 : i32
        %parallel_loop3A_339 = arith.addi %parallel_loop3A_338, %parallel_loop3A_252 : i32
        %parallel_loop3A_340 = arith.index_cast %parallel_loop3A_339 : i32 to index
        %parallel_loop3A_341 = tpu.vector_load %arg4[%parallel_loop3A_340] {strides = array<i32>} : memref<4096xf32, #tpu.memory_space<vmem>>, vector<16xf32>,
        %parallel_loop3A_342 = vector.shape_cast %parallel_loop3A_341 : vector<16xf32> to vector<16xf32>
        %parallel_loop3A_343 = arith.constant 1 : i32
        %parallel_loop3A_344 = arith.constant 6 : i32
        %parallel_loop3A_345 = arith.index_cast %parallel_loop3A_343 : i32 to index
        %parallel_loop3A_346 = arith.index_cast %parallel_loop3A_344 : i32 to index
        %parallel_loop3A_347 = arith.index_cast %parallel_loop3A_252 : i32 to index
        %parallel_loop3A_348 = tpu.vector_load %arg5[%parallel_loop3A_345, %parallel_loop3A_346, %parallel_loop3A_347] {strides = array<i32>} : memref<4x8x2048xf32, #tpu.memory_space<vmem>>, vector<1x1x16xf32>,
        %parallel_loop3A_349 = vector.shape_cast %parallel_loop3A_348 : vector<1x1x16xf32> to vector<16xf32>
        %parallel_loop3A_350 = vector.shape_cast %parallel_loop3A_342 : vector<16xf32> to vector<1x1x16xf32>
        tpu.vector_store %arg5[%parallel_loop3A_345, %parallel_loop3A_346, %parallel_loop3A_347], %parallel_loop3A_350 {strides = array<i32>} : memref<4x8x2048xf32, #tpu.memory_space<vmem>>, vector<1x1x16xf32>,
        %parallel_loop3A_351 = arith.constant 7 : i32
        %parallel_loop3A_352 = arith.subi %sub3A_161, %parallel_loop3A_351 : i32
        %parallel_loop3A_353 = arith.addi %parallel_loop3A_352, %parallel_loop3A_252 : i32
        %parallel_loop3A_354 = arith.index_cast %parallel_loop3A_353 : i32 to index
        %parallel_loop3A_355 = tpu.vector_load %arg4[%parallel_loop3A_354] {strides = array<i32>} : memref<4096xf32, #tpu.memory_space<vmem>>, vector<16xf32>,
        %parallel_loop3A_356 = vector.shape_cast %parallel_loop3A_355 : vector<16xf32> to vector<16xf32>
        %parallel_loop3A_357 = arith.constant 1 : i32
        %parallel_loop3A_358 = arith.constant 7 : i32
        %parallel_loop3A_359 = arith.index_cast %parallel_loop3A_357 : i32 to index
        %parallel_loop3A_360 = arith.index_cast %parallel_loop3A_358 : i32 to index
        %parallel_loop3A_361 = arith.index_cast %parallel_loop3A_252 : i32 to index
        %parallel_loop3A_362 = tpu.vector_load %arg5[%parallel_loop3A_359, %parallel_loop3A_360, %parallel_loop3A_361] {strides = array<i32>} : memref<4x8x2048xf32, #tpu.memory_space<vmem>>, vector<1x1x16xf32>,
        %parallel_loop3A_363 = vector.shape_cast %parallel_loop3A_362 : vector<1x1x16xf32> to vector<16xf32>
        %parallel_loop3A_364 = vector.shape_cast %parallel_loop3A_356 : vector<16xf32> to vector<1x1x16xf32>
        tpu.vector_store %arg5[%parallel_loop3A_359, %parallel_loop3A_360, %parallel_loop3A_361], %parallel_loop3A_364 {strides = array<i32>} : memref<4x8x2048xf32, #tpu.memory_space<vmem>>, vector<1x1x16xf32>,
      } {sc.loop_unroll_factor = 4 : i64, sc.parallel_access}
      %multiple_of3A_165 = tpu.assume_multiple %add3A_154, 8 : i32
      %dma_start3A_166 = arith.constant 1 : i32
      %dma_start3A_167 = arith.constant 0 : i32
      %dma_start3A_168 = arith.constant 0 : i32
      %dma_start3A_169 = arith.constant 0 : i32
      %dma_start3A_170 = tpu.memref_slice %arg5[%dma_start3A_166, %dma_start3A_168, %dma_start3A_169] : memref<4x8x2048xf32, #tpu.memory_space<vmem>> -> memref<1x8x2048xf32, #tpu.memory_space<vmem>>
      %dma_start3A_171 = tpu.memref_squeeze %dma_start3A_170 : memref<1x8x2048xf32, #tpu.memory_space<vmem>> -> memref<8x2048xf32, #tpu.memory_space<vmem>>
      %dma_start3A_172 = arith.constant 0 : i32
      %dma_start3A_173 = tpu.memref_slice %arg3[%dma_start3A_167, %select_n3A, %multiple_of3A_165, %dma_start3A_172] : memref<1x16x2048x2048xf32, #tpu.memory_space<hbm>> -> memref<1x1x8x2048xf32, #tpu.memory_space<hbm>>
      %dma_start3A_174 = tpu.memref_squeeze %dma_start3A_173 : memref<1x1x8x2048xf32, #tpu.memory_space<hbm>> -> memref<8x2048xf32, #tpu.memory_space<hbm>>
      %dma_start3A_175 = arith.constant 0 : i32
      %dma_start3A_176 = tpu.memref_slice %arg3[%dma_start3A_167, %select_n3A, %multiple_of3A_165, %dma_start3A_175] : memref<1x16x2048x2048xf32, #tpu.memory_space<hbm>> -> memref<1x1x8x2048xf32, #tpu.memory_space<hbm>>
      %dma_start3A_177 = tpu.memref_squeeze %dma_start3A_176 : memref<1x1x8x2048xf32, #tpu.memory_space<hbm>> -> memref<8x2048xf32, #tpu.memory_space<hbm>>
      %dma_start3A_178 = arith.constant 0 : i32
      %dma_start3A_179 = arith.constant 0 : i32
      %dma_start3A_180 = tpu.memref_slice %arg5[%dma_start3A_166, %dma_start3A_178, %dma_start3A_179] : memref<4x8x2048xf32, #tpu.memory_space<vmem>> -> memref<1x8x2048xf32, #tpu.memory_space<vmem>>
      %dma_start3A_181 = tpu.memref_squeeze %dma_start3A_180 : memref<1x8x2048xf32, #tpu.memory_space<vmem>> -> memref<8x2048xf32, #tpu.memory_space<vmem>>
      tpu.enqueue_dma source(%dma_start3A_181 : memref<8x2048xf32, #tpu.memory_space<vmem>>) target(%dma_start3A_177 : memref<8x2048xf32, #tpu.memory_space<hbm>>) target_semaphore(%arg7 : memref<!tpu.dma_semaphore, #tpu.memory_space<semaphore_mem>>)
      %mul3A_182 = arith.constant 4 : i32
      %mul3A_183 = arith.muli %scan3A_118, %mul3A_182 : i32
      %add3A_184 = arith.constant 2 : i32
      %add3A_185 = arith.addi %mul3A_183, %add3A_184 : i32
      %mul3A_186 = arith.constant 8 : i32
      %mul3A_187 = arith.muli %add3A_185, %mul3A_186 : i32
      %add3A_188 = arith.addi %mul3A_32, %mul3A_187 : i32
      %gt3A_189 = arith.constant 0 : i32
      %gt3A_190 = arith.cmpi sgt, %scan3A_118, %gt3A_189 : i32
      %convert_element_type3A_191 = arith.extui %gt3A_190 : i1 to i32
      %cond3A_192 = arith.constant 0 : i32
      %cond3A_193 = arith.cmpi ne, %convert_element_type3A_191, %cond3A_192 : i32
      scf.if %cond3A_193 {
        %dma_wait3A_250 = arith.constant 0 : i32
        %dma_wait3A_251 = arith.constant 0 : i32
        %dma_wait3A_252 = arith.constant 0 : i32
        %dma_wait3A_253 = arith.constant 0 : i32
        %dma_wait3A_254 = arith.constant 0 : i32
        %dma_wait3A_255 = tpu.memref_slice %arg5[%dma_wait3A_250, %dma_wait3A_253, %dma_wait3A_254] : memref<4x8x2048xf32, #tpu.memory_space<vmem>> -> memref<1x8x2048xf32, #tpu.memory_space<vmem>>
        %dma_wait3A_256 = tpu.memref_squeeze %dma_wait3A_255 : memref<1x8x2048xf32, #tpu.memory_space<vmem>> -> memref<8x2048xf32, #tpu.memory_space<vmem>>
        %dma_wait3A_257 = arith.constant 0 : i32
        %dma_wait3A_258 = arith.constant 0 : i32
        %dma_wait3A_259 = tpu.memref_slice %arg3[%dma_wait3A_251, %dma_wait3A_252, %dma_wait3A_257, %dma_wait3A_258] : memref<1x16x2048x2048xf32, #tpu.memory_space<hbm>> -> memref<1x1x8x2048xf32, #tpu.memory_space<hbm>>
        %dma_wait3A_260 = tpu.memref_squeeze %dma_wait3A_259 : memref<1x1x8x2048xf32, #tpu.memory_space<hbm>> -> memref<8x2048xf32, #tpu.memory_space<hbm>>
        %dma_wait3A_261 = arith.constant 0 : i32
        %dma_wait3A_262 = arith.constant 0 : i32
        %dma_wait3A_263 = tpu.memref_slice %arg3[%dma_wait3A_251, %dma_wait3A_252, %dma_wait3A_261, %dma_wait3A_262] : memref<1x16x2048x2048xf32, #tpu.memory_space<hbm>> -> memref<1x1x8x2048xf32, #tpu.memory_space<hbm>>
        %dma_wait3A_264 = tpu.memref_squeeze %dma_wait3A_263 : memref<1x1x8x2048xf32, #tpu.memory_space<hbm>> -> memref<8x2048xf32, #tpu.memory_space<hbm>>
        %dma_wait3A_265 = arith.constant 0 : i32
        %dma_wait3A_266 = arith.constant 0 : i32
        %dma_wait3A_267 = tpu.memref_slice %arg5[%dma_wait3A_250, %dma_wait3A_265, %dma_wait3A_266] : memref<4x8x2048xf32, #tpu.memory_space<vmem>> -> memref<1x8x2048xf32, #tpu.memory_space<vmem>>
        %dma_wait3A_268 = tpu.memref_squeeze %dma_wait3A_267 : memref<1x8x2048xf32, #tpu.memory_space<vmem>> -> memref<8x2048xf32, #tpu.memory_space<vmem>>
        tpu.wait_dma2 semaphore(%arg7 : memref<!tpu.dma_semaphore, #tpu.memory_space<semaphore_mem>>) src(%dma_wait3A_268 : memref<8x2048xf32, #tpu.memory_space<vmem>>) dst(%dma_wait3A_264 : memref<8x2048xf32, #tpu.memory_space<hbm>>)
      } else {
      }
      %sub3A_194 = arith.constant 2047 : i32
      %sub3A_195 = arith.subi %sub3A_194, %add3A_188 : i32
      %parallel_loop3A_196 = arith.constant 0 : i32
      %parallel_loop3A_197 = arith.constant 128 : i32
      %parallel_loop3A_198 = arith.constant 1 : i32
      scf.for %parallel_loop3A_250 = %parallel_loop3A_196 to %parallel_loop3A_197 step %parallel_loop3A_198  : i32 {
        %parallel_loop3A_251 = arith.constant 16 : i32
        %parallel_loop3A_252 = arith.muli %parallel_loop3A_250, %parallel_loop3A_251 : i32
        %parallel_loop3A_253 = arith.constant 0 : i32
        %parallel_loop3A_254 = arith.subi %sub3A_195, %parallel_loop3A_253 : i32
        %parallel_loop3A_255 = arith.addi %parallel_loop3A_254, %parallel_loop3A_252 : i32
        %parallel_loop3A_256 = arith.index_cast %parallel_loop3A_255 : i32 to index
        %parallel_loop3A_257 = tpu.vector_load %arg4[%parallel_loop3A_256] {strides = array<i32>} : memref<4096xf32, #tpu.memory_space<vmem>>, vector<16xf32>,
        %parallel_loop3A_258 = vector.shape_cast %parallel_loop3A_257 : vector<16xf32> to vector<16xf32>
        %parallel_loop3A_259 = arith.constant 2 : i32
        %parallel_loop3A_260 = arith.constant 0 : i32
        %parallel_loop3A_261 = arith.index_cast %parallel_loop3A_259 : i32 to index
        %parallel_loop3A_262 = arith.index_cast %parallel_loop3A_260 : i32 to index
        %parallel_loop3A_263 = arith.index_cast %parallel_loop3A_252 : i32 to index
        %parallel_loop3A_264 = tpu.vector_load %arg5[%parallel_loop3A_261, %parallel_loop3A_262, %parallel_loop3A_263] {strides = array<i32>} : memref<4x8x2048xf32, #tpu.memory_space<vmem>>, vector<1x1x16xf32>,
        %parallel_loop3A_265 = vector.shape_cast %parallel_loop3A_264 : vector<1x1x16xf32> to vector<16xf32>
        %parallel_loop3A_266 = vector.shape_cast %parallel_loop3A_258 : vector<16xf32> to vector<1x1x16xf32>
        tpu.vector_store %arg5[%parallel_loop3A_261, %parallel_loop3A_262, %parallel_loop3A_263], %parallel_loop3A_266 {strides = array<i32>} : memref<4x8x2048xf32, #tpu.memory_space<vmem>>, vector<1x1x16xf32>,
        %parallel_loop3A_267 = arith.constant 1 : i32
        %parallel_loop3A_268 = arith.subi %sub3A_195, %parallel_loop3A_267 : i32
        %parallel_loop3A_269 = arith.addi %parallel_loop3A_268, %parallel_loop3A_252 : i32
        %parallel_loop3A_270 = arith.index_cast %parallel_loop3A_269 : i32 to index
        %parallel_loop3A_271 = tpu.vector_load %arg4[%parallel_loop3A_270] {strides = array<i32>} : memref<4096xf32, #tpu.memory_space<vmem>>, vector<16xf32>,
        %parallel_loop3A_272 = vector.shape_cast %parallel_loop3A_271 : vector<16xf32> to vector<16xf32>
        %parallel_loop3A_273 = arith.constant 2 : i32
        %parallel_loop3A_274 = arith.constant 1 : i32
        %parallel_loop3A_275 = arith.index_cast %parallel_loop3A_273 : i32 to index
        %parallel_loop3A_276 = arith.index_cast %parallel_loop3A_274 : i32 to index
        %parallel_loop3A_277 = arith.index_cast %parallel_loop3A_252 : i32 to index
        %parallel_loop3A_278 = tpu.vector_load %arg5[%parallel_loop3A_275, %parallel_loop3A_276, %parallel_loop3A_277] {strides = array<i32>} : memref<4x8x2048xf32, #tpu.memory_space<vmem>>, vector<1x1x16xf32>,
        %parallel_loop3A_279 = vector.shape_cast %parallel_loop3A_278 : vector<1x1x16xf32> to vector<16xf32>
        %parallel_loop3A_280 = vector.shape_cast %parallel_loop3A_272 : vector<16xf32> to vector<1x1x16xf32>
        tpu.vector_store %arg5[%parallel_loop3A_275, %parallel_loop3A_276, %parallel_loop3A_277], %parallel_loop3A_280 {strides = array<i32>} : memref<4x8x2048xf32, #tpu.memory_space<vmem>>, vector<1x1x16xf32>,
        %parallel_loop3A_281 = arith.constant 2 : i32
        %parallel_loop3A_282 = arith.subi %sub3A_195, %parallel_loop3A_281 : i32
        %parallel_loop3A_283 = arith.addi %parallel_loop3A_282, %parallel_loop3A_252 : i32
        %parallel_loop3A_284 = arith.index_cast %parallel_loop3A_283 : i32 to index
        %parallel_loop3A_285 = tpu.vector_load %arg4[%parallel_loop3A_284] {strides = array<i32>} : memref<4096xf32, #tpu.memory_space<vmem>>, vector<16xf32>,
        %parallel_loop3A_286 = vector.shape_cast %parallel_loop3A_285 : vector<16xf32> to vector<16xf32>
        %parallel_loop3A_287 = arith.constant 2 : i32
        %parallel_loop3A_288 = arith.constant 2 : i32
        %parallel_loop3A_289 = arith.index_cast %parallel_loop3A_287 : i32 to index
        %parallel_loop3A_290 = arith.index_cast %parallel_loop3A_288 : i32 to index
        %parallel_loop3A_291 = arith.index_cast %parallel_loop3A_252 : i32 to index
        %parallel_loop3A_292 = tpu.vector_load %arg5[%parallel_loop3A_289, %parallel_loop3A_290, %parallel_loop3A_291] {strides = array<i32>} : memref<4x8x2048xf32, #tpu.memory_space<vmem>>, vector<1x1x16xf32>,
        %parallel_loop3A_293 = vector.shape_cast %parallel_loop3A_292 : vector<1x1x16xf32> to vector<16xf32>
        %parallel_loop3A_294 = vector.shape_cast %parallel_loop3A_286 : vector<16xf32> to vector<1x1x16xf32>
        tpu.vector_store %arg5[%parallel_loop3A_289, %parallel_loop3A_290, %parallel_loop3A_291], %parallel_loop3A_294 {strides = array<i32>} : memref<4x8x2048xf32, #tpu.memory_space<vmem>>, vector<1x1x16xf32>,
        %parallel_loop3A_295 = arith.constant 3 : i32
        %parallel_loop3A_296 = arith.subi %sub3A_195, %parallel_loop3A_295 : i32
        %parallel_loop3A_297 = arith.addi %parallel_loop3A_296, %parallel_loop3A_252 : i32
        %parallel_loop3A_298 = arith.index_cast %parallel_loop3A_297 : i32 to index
        %parallel_loop3A_299 = tpu.vector_load %arg4[%parallel_loop3A_298] {strides = array<i32>} : memref<4096xf32, #tpu.memory_space<vmem>>, vector<16xf32>,
        %parallel_loop3A_300 = vector.shape_cast %parallel_loop3A_299 : vector<16xf32> to vector<16xf32>
        %parallel_loop3A_301 = arith.constant 2 : i32
        %parallel_loop3A_302 = arith.constant 3 : i32
        %parallel_loop3A_303 = arith.index_cast %parallel_loop3A_301 : i32 to index
        %parallel_loop3A_304 = arith.index_cast %parallel_loop3A_302 : i32 to index
        %parallel_loop3A_305 = arith.index_cast %parallel_loop3A_252 : i32 to index
        %parallel_loop3A_306 = tpu.vector_load %arg5[%parallel_loop3A_303, %parallel_loop3A_304, %parallel_loop3A_305] {strides = array<i32>} : memref<4x8x2048xf32, #tpu.memory_space<vmem>>, vector<1x1x16xf32>,
        %parallel_loop3A_307 = vector.shape_cast %parallel_loop3A_306 : vector<1x1x16xf32> to vector<16xf32>
        %parallel_loop3A_308 = vector.shape_cast %parallel_loop3A_300 : vector<16xf32> to vector<1x1x16xf32>
        tpu.vector_store %arg5[%parallel_loop3A_303, %parallel_loop3A_304, %parallel_loop3A_305], %parallel_loop3A_308 {strides = array<i32>} : memref<4x8x2048xf32, #tpu.memory_space<vmem>>, vector<1x1x16xf32>,
        %parallel_loop3A_309 = arith.constant 4 : i32
        %parallel_loop3A_310 = arith.subi %sub3A_195, %parallel_loop3A_309 : i32
        %parallel_loop3A_311 = arith.addi %parallel_loop3A_310, %parallel_loop3A_252 : i32
        %parallel_loop3A_312 = arith.index_cast %parallel_loop3A_311 : i32 to index
        %parallel_loop3A_313 = tpu.vector_load %arg4[%parallel_loop3A_312] {strides = array<i32>} : memref<4096xf32, #tpu.memory_space<vmem>>, vector<16xf32>,
        %parallel_loop3A_314 = vector.shape_cast %parallel_loop3A_313 : vector<16xf32> to vector<16xf32>
        %parallel_loop3A_315 = arith.constant 2 : i32
        %parallel_loop3A_316 = arith.constant 4 : i32
        %parallel_loop3A_317 = arith.index_cast %parallel_loop3A_315 : i32 to index
        %parallel_loop3A_318 = arith.index_cast %parallel_loop3A_316 : i32 to index
        %parallel_loop3A_319 = arith.index_cast %parallel_loop3A_252 : i32 to index
        %parallel_loop3A_320 = tpu.vector_load %arg5[%parallel_loop3A_317, %parallel_loop3A_318, %parallel_loop3A_319] {strides = array<i32>} : memref<4x8x2048xf32, #tpu.memory_space<vmem>>, vector<1x1x16xf32>,
        %parallel_loop3A_321 = vector.shape_cast %parallel_loop3A_320 : vector<1x1x16xf32> to vector<16xf32>
        %parallel_loop3A_322 = vector.shape_cast %parallel_loop3A_314 : vector<16xf32> to vector<1x1x16xf32>
        tpu.vector_store %arg5[%parallel_loop3A_317, %parallel_loop3A_318, %parallel_loop3A_319], %parallel_loop3A_322 {strides = array<i32>} : memref<4x8x2048xf32, #tpu.memory_space<vmem>>, vector<1x1x16xf32>,
        %parallel_loop3A_323 = arith.constant 5 : i32
        %parallel_loop3A_324 = arith.subi %sub3A_195, %parallel_loop3A_323 : i32
        %parallel_loop3A_325 = arith.addi %parallel_loop3A_324, %parallel_loop3A_252 : i32
        %parallel_loop3A_326 = arith.index_cast %parallel_loop3A_325 : i32 to index
        %parallel_loop3A_327 = tpu.vector_load %arg4[%parallel_loop3A_326] {strides = array<i32>} : memref<4096xf32, #tpu.memory_space<vmem>>, vector<16xf32>,
        %parallel_loop3A_328 = vector.shape_cast %parallel_loop3A_327 : vector<16xf32> to vector<16xf32>
        %parallel_loop3A_329 = arith.constant 2 : i32
        %parallel_loop3A_330 = arith.constant 5 : i32
        %parallel_loop3A_331 = arith.index_cast %parallel_loop3A_329 : i32 to index
        %parallel_loop3A_332 = arith.index_cast %parallel_loop3A_330 : i32 to index
        %parallel_loop3A_333 = arith.index_cast %parallel_loop3A_252 : i32 to index
        %parallel_loop3A_334 = tpu.vector_load %arg5[%parallel_loop3A_331, %parallel_loop3A_332, %parallel_loop3A_333] {strides = array<i32>} : memref<4x8x2048xf32, #tpu.memory_space<vmem>>, vector<1x1x16xf32>,
        %parallel_loop3A_335 = vector.shape_cast %parallel_loop3A_334 : vector<1x1x16xf32> to vector<16xf32>
        %parallel_loop3A_336 = vector.shape_cast %parallel_loop3A_328 : vector<16xf32> to vector<1x1x16xf32>
        tpu.vector_store %arg5[%parallel_loop3A_331, %parallel_loop3A_332, %parallel_loop3A_333], %parallel_loop3A_336 {strides = array<i32>} : memref<4x8x2048xf32, #tpu.memory_space<vmem>>, vector<1x1x16xf32>,
        %parallel_loop3A_337 = arith.constant 6 : i32
        %parallel_loop3A_338 = arith.subi %sub3A_195, %parallel_loop3A_337 : i32
        %parallel_loop3A_339 = arith.addi %parallel_loop3A_338, %parallel_loop3A_252 : i32
        %parallel_loop3A_340 = arith.index_cast %parallel_loop3A_339 : i32 to index
        %parallel_loop3A_341 = tpu.vector_load %arg4[%parallel_loop3A_340] {strides = array<i32>} : memref<4096xf32, #tpu.memory_space<vmem>>, vector<16xf32>,
        %parallel_loop3A_342 = vector.shape_cast %parallel_loop3A_341 : vector<16xf32> to vector<16xf32>
        %parallel_loop3A_343 = arith.constant 2 : i32
        %parallel_loop3A_344 = arith.constant 6 : i32
        %parallel_loop3A_345 = arith.index_cast %parallel_loop3A_343 : i32 to index
        %parallel_loop3A_346 = arith.index_cast %parallel_loop3A_344 : i32 to index
        %parallel_loop3A_347 = arith.index_cast %parallel_loop3A_252 : i32 to index
        %parallel_loop3A_348 = tpu.vector_load %arg5[%parallel_loop3A_345, %parallel_loop3A_346, %parallel_loop3A_347] {strides = array<i32>} : memref<4x8x2048xf32, #tpu.memory_space<vmem>>, vector<1x1x16xf32>,
        %parallel_loop3A_349 = vector.shape_cast %parallel_loop3A_348 : vector<1x1x16xf32> to vector<16xf32>
        %parallel_loop3A_350 = vector.shape_cast %parallel_loop3A_342 : vector<16xf32> to vector<1x1x16xf32>
        tpu.vector_store %arg5[%parallel_loop3A_345, %parallel_loop3A_346, %parallel_loop3A_347], %parallel_loop3A_350 {strides = array<i32>} : memref<4x8x2048xf32, #tpu.memory_space<vmem>>, vector<1x1x16xf32>,
        %parallel_loop3A_351 = arith.constant 7 : i32
        %parallel_loop3A_352 = arith.subi %sub3A_195, %parallel_loop3A_351 : i32
        %parallel_loop3A_353 = arith.addi %parallel_loop3A_352, %parallel_loop3A_252 : i32
        %parallel_loop3A_354 = arith.index_cast %parallel_loop3A_353 : i32 to index
        %parallel_loop3A_355 = tpu.vector_load %arg4[%parallel_loop3A_354] {strides = array<i32>} : memref<4096xf32, #tpu.memory_space<vmem>>, vector<16xf32>,
        %parallel_loop3A_356 = vector.shape_cast %parallel_loop3A_355 : vector<16xf32> to vector<16xf32>
        %parallel_loop3A_357 = arith.constant 2 : i32
        %parallel_loop3A_358 = arith.constant 7 : i32
        %parallel_loop3A_359 = arith.index_cast %parallel_loop3A_357 : i32 to index
        %parallel_loop3A_360 = arith.index_cast %parallel_loop3A_358 : i32 to index
        %parallel_loop3A_361 = arith.index_cast %parallel_loop3A_252 : i32 to index
        %parallel_loop3A_362 = tpu.vector_load %arg5[%parallel_loop3A_359, %parallel_loop3A_360, %parallel_loop3A_361] {strides = array<i32>} : memref<4x8x2048xf32, #tpu.memory_space<vmem>>, vector<1x1x16xf32>,
        %parallel_loop3A_363 = vector.shape_cast %parallel_loop3A_362 : vector<1x1x16xf32> to vector<16xf32>
        %parallel_loop3A_364 = vector.shape_cast %parallel_loop3A_356 : vector<16xf32> to vector<1x1x16xf32>
        tpu.vector_store %arg5[%parallel_loop3A_359, %parallel_loop3A_360, %parallel_loop3A_361], %parallel_loop3A_364 {strides = array<i32>} : memref<4x8x2048xf32, #tpu.memory_space<vmem>>, vector<1x1x16xf32>,
      } {sc.loop_unroll_factor = 4 : i64, sc.parallel_access}
      %multiple_of3A_199 = tpu.assume_multiple %add3A_188, 8 : i32
      %dma_start3A_200 = arith.constant 2 : i32
      %dma_start3A_201 = arith.constant 0 : i32
      %dma_start3A_202 = arith.constant 0 : i32
      %dma_start3A_203 = arith.constant 0 : i32
      %dma_start3A_204 = tpu.memref_slice %arg5[%dma_start3A_200, %dma_start3A_202, %dma_start3A_203] : memref<4x8x2048xf32, #tpu.memory_space<vmem>> -> memref<1x8x2048xf32, #tpu.memory_space<vmem>>
      %dma_start3A_205 = tpu.memref_squeeze %dma_start3A_204 : memref<1x8x2048xf32, #tpu.memory_space<vmem>> -> memref<8x2048xf32, #tpu.memory_space<vmem>>
      %dma_start3A_206 = arith.constant 0 : i32
      %dma_start3A_207 = tpu.memref_slice %arg3[%dma_start3A_201, %select_n3A, %multiple_of3A_199, %dma_start3A_206] : memref<1x16x2048x2048xf32, #tpu.memory_space<hbm>> -> memref<1x1x8x2048xf32, #tpu.memory_space<hbm>>
      %dma_start3A_208 = tpu.memref_squeeze %dma_start3A_207 : memref<1x1x8x2048xf32, #tpu.memory_space<hbm>> -> memref<8x2048xf32, #tpu.memory_space<hbm>>
      %dma_start3A_209 = arith.constant 0 : i32
      %dma_start3A_210 = tpu.memref_slice %arg3[%dma_start3A_201, %select_n3A, %multiple_of3A_199, %dma_start3A_209] : memref<1x16x2048x2048xf32, #tpu.memory_space<hbm>> -> memref<1x1x8x2048xf32, #tpu.memory_space<hbm>>
      %dma_start3A_211 = tpu.memref_squeeze %dma_start3A_210 : memref<1x1x8x2048xf32, #tpu.memory_space<hbm>> -> memref<8x2048xf32, #tpu.memory_space<hbm>>
      %dma_start3A_212 = arith.constant 0 : i32
      %dma_start3A_213 = arith.constant 0 : i32
      %dma_start3A_214 = tpu.memref_slice %arg5[%dma_start3A_200, %dma_start3A_212, %dma_start3A_213] : memref<4x8x2048xf32, #tpu.memory_space<vmem>> -> memref<1x8x2048xf32, #tpu.memory_space<vmem>>
      %dma_start3A_215 = tpu.memref_squeeze %dma_start3A_214 : memref<1x8x2048xf32, #tpu.memory_space<vmem>> -> memref<8x2048xf32, #tpu.memory_space<vmem>>
      tpu.enqueue_dma source(%dma_start3A_215 : memref<8x2048xf32, #tpu.memory_space<vmem>>) target(%dma_start3A_211 : memref<8x2048xf32, #tpu.memory_space<hbm>>) target_semaphore(%arg7 : memref<!tpu.dma_semaphore, #tpu.memory_space<semaphore_mem>>)
      %mul3A_216 = arith.constant 4 : i32
      %mul3A_217 = arith.muli %scan3A_118, %mul3A_216 : i32
      %add3A_218 = arith.constant 3 : i32
      %add3A_219 = arith.addi %mul3A_217, %add3A_218 : i32
      %mul3A_220 = arith.constant 8 : i32
      %mul3A_221 = arith.muli %add3A_219, %mul3A_220 : i32
      %add3A_222 = arith.addi %mul3A_32, %mul3A_221 : i32
      %gt3A_223 = arith.constant 0 : i32
      %gt3A_224 = arith.cmpi sgt, %scan3A_118, %gt3A_223 : i32
      %convert_element_type3A_225 = arith.extui %gt3A_224 : i1 to i32
      %cond3A_226 = arith.constant 0 : i32
      %cond3A_227 = arith.cmpi ne, %convert_element_type3A_225, %cond3A_226 : i32
      scf.if %cond3A_227 {
        %dma_wait3A_250 = arith.constant 0 : i32
        %dma_wait3A_251 = arith.constant 0 : i32
        %dma_wait3A_252 = arith.constant 0 : i32
        %dma_wait3A_253 = arith.constant 0 : i32
        %dma_wait3A_254 = arith.constant 0 : i32
        %dma_wait3A_255 = tpu.memref_slice %arg5[%dma_wait3A_250, %dma_wait3A_253, %dma_wait3A_254] : memref<4x8x2048xf32, #tpu.memory_space<vmem>> -> memref<1x8x2048xf32, #tpu.memory_space<vmem>>
        %dma_wait3A_256 = tpu.memref_squeeze %dma_wait3A_255 : memref<1x8x2048xf32, #tpu.memory_space<vmem>> -> memref<8x2048xf32, #tpu.memory_space<vmem>>
        %dma_wait3A_257 = arith.constant 0 : i32
        %dma_wait3A_258 = arith.constant 0 : i32
        %dma_wait3A_259 = tpu.memref_slice %arg3[%dma_wait3A_251, %dma_wait3A_252, %dma_wait3A_257, %dma_wait3A_258] : memref<1x16x2048x2048xf32, #tpu.memory_space<hbm>> -> memref<1x1x8x2048xf32, #tpu.memory_space<hbm>>
        %dma_wait3A_260 = tpu.memref_squeeze %dma_wait3A_259 : memref<1x1x8x2048xf32, #tpu.memory_space<hbm>> -> memref<8x2048xf32, #tpu.memory_space<hbm>>
        %dma_wait3A_261 = arith.constant 0 : i32
        %dma_wait3A_262 = arith.constant 0 : i32
        %dma_wait3A_263 = tpu.memref_slice %arg3[%dma_wait3A_251, %dma_wait3A_252, %dma_wait3A_261, %dma_wait3A_262] : memref<1x16x2048x2048xf32, #tpu.memory_space<hbm>> -> memref<1x1x8x2048xf32, #tpu.memory_space<hbm>>
        %dma_wait3A_264 = tpu.memref_squeeze %dma_wait3A_263 : memref<1x1x8x2048xf32, #tpu.memory_space<hbm>> -> memref<8x2048xf32, #tpu.memory_space<hbm>>
        %dma_wait3A_265 = arith.constant 0 : i32
        %dma_wait3A_266 = arith.constant 0 : i32
        %dma_wait3A_267 = tpu.memref_slice %arg5[%dma_wait3A_250, %dma_wait3A_265, %dma_wait3A_266] : memref<4x8x2048xf32, #tpu.memory_space<vmem>> -> memref<1x8x2048xf32, #tpu.memory_space<vmem>>
        %dma_wait3A_268 = tpu.memref_squeeze %dma_wait3A_267 : memref<1x8x2048xf32, #tpu.memory_space<vmem>> -> memref<8x2048xf32, #tpu.memory_space<vmem>>
        tpu.wait_dma2 semaphore(%arg7 : memref<!tpu.dma_semaphore, #tpu.memory_space<semaphore_mem>>) src(%dma_wait3A_268 : memref<8x2048xf32, #tpu.memory_space<vmem>>) dst(%dma_wait3A_264 : memref<8x2048xf32, #tpu.memory_space<hbm>>)
      } else {
      }
      %sub3A_228 = arith.constant 2047 : i32
      %sub3A_229 = arith.subi %sub3A_228, %add3A_222 : i32
      %parallel_loop3A_230 = arith.constant 0 : i32
      %parallel_loop3A_231 = arith.constant 128 : i32
      %parallel_loop3A_232 = arith.constant 1 : i32
      scf.for %parallel_loop3A_250 = %parallel_loop3A_230 to %parallel_loop3A_231 step %parallel_loop3A_232  : i32 {
        %parallel_loop3A_251 = arith.constant 16 : i32
        %parallel_loop3A_252 = arith.muli %parallel_loop3A_250, %parallel_loop3A_251 : i32
        %parallel_loop3A_253 = arith.constant 0 : i32
        %parallel_loop3A_254 = arith.subi %sub3A_229, %parallel_loop3A_253 : i32
        %parallel_loop3A_255 = arith.addi %parallel_loop3A_254, %parallel_loop3A_252 : i32
        %parallel_loop3A_256 = arith.index_cast %parallel_loop3A_255 : i32 to index
        %parallel_loop3A_257 = tpu.vector_load %arg4[%parallel_loop3A_256] {strides = array<i32>} : memref<4096xf32, #tpu.memory_space<vmem>>, vector<16xf32>,
        %parallel_loop3A_258 = vector.shape_cast %parallel_loop3A_257 : vector<16xf32> to vector<16xf32>
        %parallel_loop3A_259 = arith.constant 3 : i32
        %parallel_loop3A_260 = arith.constant 0 : i32
        %parallel_loop3A_261 = arith.index_cast %parallel_loop3A_259 : i32 to index
        %parallel_loop3A_262 = arith.index_cast %parallel_loop3A_260 : i32 to index
        %parallel_loop3A_263 = arith.index_cast %parallel_loop3A_252 : i32 to index
        %parallel_loop3A_264 = tpu.vector_load %arg5[%parallel_loop3A_261, %parallel_loop3A_262, %parallel_loop3A_263] {strides = array<i32>} : memref<4x8x2048xf32, #tpu.memory_space<vmem>>, vector<1x1x16xf32>,
        %parallel_loop3A_265 = vector.shape_cast %parallel_loop3A_264 : vector<1x1x16xf32> to vector<16xf32>
        %parallel_loop3A_266 = vector.shape_cast %parallel_loop3A_258 : vector<16xf32> to vector<1x1x16xf32>
        tpu.vector_store %arg5[%parallel_loop3A_261, %parallel_loop3A_262, %parallel_loop3A_263], %parallel_loop3A_266 {strides = array<i32>} : memref<4x8x2048xf32, #tpu.memory_space<vmem>>, vector<1x1x16xf32>,
        %parallel_loop3A_267 = arith.constant 1 : i32
        %parallel_loop3A_268 = arith.subi %sub3A_229, %parallel_loop3A_267 : i32
        %parallel_loop3A_269 = arith.addi %parallel_loop3A_268, %parallel_loop3A_252 : i32
        %parallel_loop3A_270 = arith.index_cast %parallel_loop3A_269 : i32 to index
        %parallel_loop3A_271 = tpu.vector_load %arg4[%parallel_loop3A_270] {strides = array<i32>} : memref<4096xf32, #tpu.memory_space<vmem>>, vector<16xf32>,
        %parallel_loop3A_272 = vector.shape_cast %parallel_loop3A_271 : vector<16xf32> to vector<16xf32>
        %parallel_loop3A_273 = arith.constant 3 : i32
        %parallel_loop3A_274 = arith.constant 1 : i32
        %parallel_loop3A_275 = arith.index_cast %parallel_loop3A_273 : i32 to index
        %parallel_loop3A_276 = arith.index_cast %parallel_loop3A_274 : i32 to index
        %parallel_loop3A_277 = arith.index_cast %parallel_loop3A_252 : i32 to index
        %parallel_loop3A_278 = tpu.vector_load %arg5[%parallel_loop3A_275, %parallel_loop3A_276, %parallel_loop3A_277] {strides = array<i32>} : memref<4x8x2048xf32, #tpu.memory_space<vmem>>, vector<1x1x16xf32>,
        %parallel_loop3A_279 = vector.shape_cast %parallel_loop3A_278 : vector<1x1x16xf32> to vector<16xf32>
        %parallel_loop3A_280 = vector.shape_cast %parallel_loop3A_272 : vector<16xf32> to vector<1x1x16xf32>
        tpu.vector_store %arg5[%parallel_loop3A_275, %parallel_loop3A_276, %parallel_loop3A_277], %parallel_loop3A_280 {strides = array<i32>} : memref<4x8x2048xf32, #tpu.memory_space<vmem>>, vector<1x1x16xf32>,
        %parallel_loop3A_281 = arith.constant 2 : i32
        %parallel_loop3A_282 = arith.subi %sub3A_229, %parallel_loop3A_281 : i32
        %parallel_loop3A_283 = arith.addi %parallel_loop3A_282, %parallel_loop3A_252 : i32
        %parallel_loop3A_284 = arith.index_cast %parallel_loop3A_283 : i32 to index
        %parallel_loop3A_285 = tpu.vector_load %arg4[%parallel_loop3A_284] {strides = array<i32>} : memref<4096xf32, #tpu.memory_space<vmem>>, vector<16xf32>,
        %parallel_loop3A_286 = vector.shape_cast %parallel_loop3A_285 : vector<16xf32> to vector<16xf32>
        %parallel_loop3A_287 = arith.constant 3 : i32
        %parallel_loop3A_288 = arith.constant 2 : i32
        %parallel_loop3A_289 = arith.index_cast %parallel_loop3A_287 : i32 to index
        %parallel_loop3A_290 = arith.index_cast %parallel_loop3A_288 : i32 to index
        %parallel_loop3A_291 = arith.index_cast %parallel_loop3A_252 : i32 to index
        %parallel_loop3A_292 = tpu.vector_load %arg5[%parallel_loop3A_289, %parallel_loop3A_290, %parallel_loop3A_291] {strides = array<i32>} : memref<4x8x2048xf32, #tpu.memory_space<vmem>>, vector<1x1x16xf32>,
        %parallel_loop3A_293 = vector.shape_cast %parallel_loop3A_292 : vector<1x1x16xf32> to vector<16xf32>
        %parallel_loop3A_294 = vector.shape_cast %parallel_loop3A_286 : vector<16xf32> to vector<1x1x16xf32>
        tpu.vector_store %arg5[%parallel_loop3A_289, %parallel_loop3A_290, %parallel_loop3A_291], %parallel_loop3A_294 {strides = array<i32>} : memref<4x8x2048xf32, #tpu.memory_space<vmem>>, vector<1x1x16xf32>,
        %parallel_loop3A_295 = arith.constant 3 : i32
        %parallel_loop3A_296 = arith.subi %sub3A_229, %parallel_loop3A_295 : i32
        %parallel_loop3A_297 = arith.addi %parallel_loop3A_296, %parallel_loop3A_252 : i32
        %parallel_loop3A_298 = arith.index_cast %parallel_loop3A_297 : i32 to index
        %parallel_loop3A_299 = tpu.vector_load %arg4[%parallel_loop3A_298] {strides = array<i32>} : memref<4096xf32, #tpu.memory_space<vmem>>, vector<16xf32>,
        %parallel_loop3A_300 = vector.shape_cast %parallel_loop3A_299 : vector<16xf32> to vector<16xf32>
        %parallel_loop3A_301 = arith.constant 3 : i32
        %parallel_loop3A_302 = arith.constant 3 : i32
        %parallel_loop3A_303 = arith.index_cast %parallel_loop3A_301 : i32 to index
        %parallel_loop3A_304 = arith.index_cast %parallel_loop3A_302 : i32 to index
        %parallel_loop3A_305 = arith.index_cast %parallel_loop3A_252 : i32 to index
        %parallel_loop3A_306 = tpu.vector_load %arg5[%parallel_loop3A_303, %parallel_loop3A_304, %parallel_loop3A_305] {strides = array<i32>} : memref<4x8x2048xf32, #tpu.memory_space<vmem>>, vector<1x1x16xf32>,
        %parallel_loop3A_307 = vector.shape_cast %parallel_loop3A_306 : vector<1x1x16xf32> to vector<16xf32>
        %parallel_loop3A_308 = vector.shape_cast %parallel_loop3A_300 : vector<16xf32> to vector<1x1x16xf32>
        tpu.vector_store %arg5[%parallel_loop3A_303, %parallel_loop3A_304, %parallel_loop3A_305], %parallel_loop3A_308 {strides = array<i32>} : memref<4x8x2048xf32, #tpu.memory_space<vmem>>, vector<1x1x16xf32>,
        %parallel_loop3A_309 = arith.constant 4 : i32
        %parallel_loop3A_310 = arith.subi %sub3A_229, %parallel_loop3A_309 : i32
        %parallel_loop3A_311 = arith.addi %parallel_loop3A_310, %parallel_loop3A_252 : i32
        %parallel_loop3A_312 = arith.index_cast %parallel_loop3A_311 : i32 to index
        %parallel_loop3A_313 = tpu.vector_load %arg4[%parallel_loop3A_312] {strides = array<i32>} : memref<4096xf32, #tpu.memory_space<vmem>>, vector<16xf32>,
        %parallel_loop3A_314 = vector.shape_cast %parallel_loop3A_313 : vector<16xf32> to vector<16xf32>
        %parallel_loop3A_315 = arith.constant 3 : i32
        %parallel_loop3A_316 = arith.constant 4 : i32
        %parallel_loop3A_317 = arith.index_cast %parallel_loop3A_315 : i32 to index
        %parallel_loop3A_318 = arith.index_cast %parallel_loop3A_316 : i32 to index
        %parallel_loop3A_319 = arith.index_cast %parallel_loop3A_252 : i32 to index
        %parallel_loop3A_320 = tpu.vector_load %arg5[%parallel_loop3A_317, %parallel_loop3A_318, %parallel_loop3A_319] {strides = array<i32>} : memref<4x8x2048xf32, #tpu.memory_space<vmem>>, vector<1x1x16xf32>,
        %parallel_loop3A_321 = vector.shape_cast %parallel_loop3A_320 : vector<1x1x16xf32> to vector<16xf32>
        %parallel_loop3A_322 = vector.shape_cast %parallel_loop3A_314 : vector<16xf32> to vector<1x1x16xf32>
        tpu.vector_store %arg5[%parallel_loop3A_317, %parallel_loop3A_318, %parallel_loop3A_319], %parallel_loop3A_322 {strides = array<i32>} : memref<4x8x2048xf32, #tpu.memory_space<vmem>>, vector<1x1x16xf32>,
        %parallel_loop3A_323 = arith.constant 5 : i32
        %parallel_loop3A_324 = arith.subi %sub3A_229, %parallel_loop3A_323 : i32
        %parallel_loop3A_325 = arith.addi %parallel_loop3A_324, %parallel_loop3A_252 : i32
        %parallel_loop3A_326 = arith.index_cast %parallel_loop3A_325 : i32 to index
        %parallel_loop3A_327 = tpu.vector_load %arg4[%parallel_loop3A_326] {strides = array<i32>} : memref<4096xf32, #tpu.memory_space<vmem>>, vector<16xf32>,
        %parallel_loop3A_328 = vector.shape_cast %parallel_loop3A_327 : vector<16xf32> to vector<16xf32>
        %parallel_loop3A_329 = arith.constant 3 : i32
        %parallel_loop3A_330 = arith.constant 5 : i32
        %parallel_loop3A_331 = arith.index_cast %parallel_loop3A_329 : i32 to index
        %parallel_loop3A_332 = arith.index_cast %parallel_loop3A_330 : i32 to index
        %parallel_loop3A_333 = arith.index_cast %parallel_loop3A_252 : i32 to index
        %parallel_loop3A_334 = tpu.vector_load %arg5[%parallel_loop3A_331, %parallel_loop3A_332, %parallel_loop3A_333] {strides = array<i32>} : memref<4x8x2048xf32, #tpu.memory_space<vmem>>, vector<1x1x16xf32>,
        %parallel_loop3A_335 = vector.shape_cast %parallel_loop3A_334 : vector<1x1x16xf32> to vector<16xf32>
        %parallel_loop3A_336 = vector.shape_cast %parallel_loop3A_328 : vector<16xf32> to vector<1x1x16xf32>
        tpu.vector_store %arg5[%parallel_loop3A_331, %parallel_loop3A_332, %parallel_loop3A_333], %parallel_loop3A_336 {strides = array<i32>} : memref<4x8x2048xf32, #tpu.memory_space<vmem>>, vector<1x1x16xf32>,
        %parallel_loop3A_337 = arith.constant 6 : i32
        %parallel_loop3A_338 = arith.subi %sub3A_229, %parallel_loop3A_337 : i32
        %parallel_loop3A_339 = arith.addi %parallel_loop3A_338, %parallel_loop3A_252 : i32
        %parallel_loop3A_340 = arith.index_cast %parallel_loop3A_339 : i32 to index
        %parallel_loop3A_341 = tpu.vector_load %arg4[%parallel_loop3A_340] {strides = array<i32>} : memref<4096xf32, #tpu.memory_space<vmem>>, vector<16xf32>,
        %parallel_loop3A_342 = vector.shape_cast %parallel_loop3A_341 : vector<16xf32> to vector<16xf32>
        %parallel_loop3A_343 = arith.constant 3 : i32
        %parallel_loop3A_344 = arith.constant 6 : i32
        %parallel_loop3A_345 = arith.index_cast %parallel_loop3A_343 : i32 to index
        %parallel_loop3A_346 = arith.index_cast %parallel_loop3A_344 : i32 to index
        %parallel_loop3A_347 = arith.index_cast %parallel_loop3A_252 : i32 to index
        %parallel_loop3A_348 = tpu.vector_load %arg5[%parallel_loop3A_345, %parallel_loop3A_346, %parallel_loop3A_347] {strides = array<i32>} : memref<4x8x2048xf32, #tpu.memory_space<vmem>>, vector<1x1x16xf32>,
        %parallel_loop3A_349 = vector.shape_cast %parallel_loop3A_348 : vector<1x1x16xf32> to vector<16xf32>
        %parallel_loop3A_350 = vector.shape_cast %parallel_loop3A_342 : vector<16xf32> to vector<1x1x16xf32>
        tpu.vector_store %arg5[%parallel_loop3A_345, %parallel_loop3A_346, %parallel_loop3A_347], %parallel_loop3A_350 {strides = array<i32>} : memref<4x8x2048xf32, #tpu.memory_space<vmem>>, vector<1x1x16xf32>,
        %parallel_loop3A_351 = arith.constant 7 : i32
        %parallel_loop3A_352 = arith.subi %sub3A_229, %parallel_loop3A_351 : i32
        %parallel_loop3A_353 = arith.addi %parallel_loop3A_352, %parallel_loop3A_252 : i32
        %parallel_loop3A_354 = arith.index_cast %parallel_loop3A_353 : i32 to index
        %parallel_loop3A_355 = tpu.vector_load %arg4[%parallel_loop3A_354] {strides = array<i32>} : memref<4096xf32, #tpu.memory_space<vmem>>, vector<16xf32>,
        %parallel_loop3A_356 = vector.shape_cast %parallel_loop3A_355 : vector<16xf32> to vector<16xf32>
        %parallel_loop3A_357 = arith.constant 3 : i32
        %parallel_loop3A_358 = arith.constant 7 : i32
        %parallel_loop3A_359 = arith.index_cast %parallel_loop3A_357 : i32 to index
        %parallel_loop3A_360 = arith.index_cast %parallel_loop3A_358 : i32 to index
        %parallel_loop3A_361 = arith.index_cast %parallel_loop3A_252 : i32 to index
        %parallel_loop3A_362 = tpu.vector_load %arg5[%parallel_loop3A_359, %parallel_loop3A_360, %parallel_loop3A_361] {strides = array<i32>} : memref<4x8x2048xf32, #tpu.memory_space<vmem>>, vector<1x1x16xf32>,
        %parallel_loop3A_363 = vector.shape_cast %parallel_loop3A_362 : vector<1x1x16xf32> to vector<16xf32>
        %parallel_loop3A_364 = vector.shape_cast %parallel_loop3A_356 : vector<16xf32> to vector<1x1x16xf32>
        tpu.vector_store %arg5[%parallel_loop3A_359, %parallel_loop3A_360, %parallel_loop3A_361], %parallel_loop3A_364 {strides = array<i32>} : memref<4x8x2048xf32, #tpu.memory_space<vmem>>, vector<1x1x16xf32>,
      } {sc.loop_unroll_factor = 4 : i64, sc.parallel_access}
      %multiple_of3A_233 = tpu.assume_multiple %add3A_222, 8 : i32
      %dma_start3A_234 = arith.constant 3 : i32
      %dma_start3A_235 = arith.constant 0 : i32
      %dma_start3A_236 = arith.constant 0 : i32
      %dma_start3A_237 = arith.constant 0 : i32
      %dma_start3A_238 = tpu.memref_slice %arg5[%dma_start3A_234, %dma_start3A_236, %dma_start3A_237] : memref<4x8x2048xf32, #tpu.memory_space<vmem>> -> memref<1x8x2048xf32, #tpu.memory_space<vmem>>
      %dma_start3A_239 = tpu.memref_squeeze %dma_start3A_238 : memref<1x8x2048xf32, #tpu.memory_space<vmem>> -> memref<8x2048xf32, #tpu.memory_space<vmem>>
      %dma_start3A_240 = arith.constant 0 : i32
      %dma_start3A_241 = tpu.memref_slice %arg3[%dma_start3A_235, %select_n3A, %multiple_of3A_233, %dma_start3A_240] : memref<1x16x2048x2048xf32, #tpu.memory_space<hbm>> -> memref<1x1x8x2048xf32, #tpu.memory_space<hbm>>
      %dma_start3A_242 = tpu.memref_squeeze %dma_start3A_241 : memref<1x1x8x2048xf32, #tpu.memory_space<hbm>> -> memref<8x2048xf32, #tpu.memory_space<hbm>>
      %dma_start3A_243 = arith.constant 0 : i32
      %dma_start3A_244 = tpu.memref_slice %arg3[%dma_start3A_235, %select_n3A, %multiple_of3A_233, %dma_start3A_243] : memref<1x16x2048x2048xf32, #tpu.memory_space<hbm>> -> memref<1x1x8x2048xf32, #tpu.memory_space<hbm>>
      %dma_start3A_245 = tpu.memref_squeeze %dma_start3A_244 : memref<1x1x8x2048xf32, #tpu.memory_space<hbm>> -> memref<8x2048xf32, #tpu.memory_space<hbm>>
      %dma_start3A_246 = arith.constant 0 : i32
      %dma_start3A_247 = arith.constant 0 : i32
      %dma_start3A_248 = tpu.memref_slice %arg5[%dma_start3A_234, %dma_start3A_246, %dma_start3A_247] : memref<4x8x2048xf32, #tpu.memory_space<vmem>> -> memref<1x8x2048xf32, #tpu.memory_space<vmem>>
      %dma_start3A_249 = tpu.memref_squeeze %dma_start3A_248 : memref<1x8x2048xf32, #tpu.memory_space<vmem>> -> memref<8x2048xf32, #tpu.memory_space<vmem>>
      tpu.enqueue_dma source(%dma_start3A_249 : memref<8x2048xf32, #tpu.memory_space<vmem>>) target(%dma_start3A_245 : memref<8x2048xf32, #tpu.memory_space<hbm>>) target_semaphore(%arg7 : memref<!tpu.dma_semaphore, #tpu.memory_space<semaphore_mem>>)
    }
    %scan3A_41 = arith.constant 32 : i32
    %dma_wait3A_42 = arith.constant 0 : i32
    %dma_wait3A_43 = arith.constant 0 : i32
    %dma_wait3A_44 = arith.constant 0 : i32
    %dma_wait3A_45 = arith.constant 0 : i32
    %dma_wait3A_46 = arith.constant 0 : i32
    %dma_wait3A_47 = tpu.memref_slice %arg5[%dma_wait3A_42, %dma_wait3A_45, %dma_wait3A_46] : memref<4x8x2048xf32, #tpu.memory_space<vmem>> -> memref<1x8x2048xf32, #tpu.memory_space<vmem>>
    %dma_wait3A_48 = tpu.memref_squeeze %dma_wait3A_47 : memref<1x8x2048xf32, #tpu.memory_space<vmem>> -> memref<8x2048xf32, #tpu.memory_space<vmem>>
    %dma_wait3A_49 = arith.constant 0 : i32
    %dma_wait3A_50 = arith.constant 0 : i32
    %dma_wait3A_51 = tpu.memref_slice %arg3[%dma_wait3A_43, %dma_wait3A_44, %dma_wait3A_49, %dma_wait3A_50] : memref<1x16x2048x2048xf32, #tpu.memory_space<hbm>> -> memref<1x1x8x2048xf32, #tpu.memory_space<hbm>>
    %dma_wait3A_52 = tpu.memref_squeeze %dma_wait3A_51 : memref<1x1x8x2048xf32, #tpu.memory_space<hbm>> -> memref<8x2048xf32, #tpu.memory_space<hbm>>
    %dma_wait3A_53 = arith.constant 0 : i32
    %dma_wait3A_54 = arith.constant 0 : i32
    %dma_wait3A_55 = tpu.memref_slice %arg3[%dma_wait3A_43, %dma_wait3A_44, %dma_wait3A_53, %dma_wait3A_54] : memref<1x16x2048x2048xf32, #tpu.memory_space<hbm>> -> memref<1x1x8x2048xf32, #tpu.memory_space<hbm>>
    %dma_wait3A_56 = tpu.memref_squeeze %dma_wait3A_55 : memref<1x1x8x2048xf32, #tpu.memory_space<hbm>> -> memref<8x2048xf32, #tpu.memory_space<hbm>>
    %dma_wait3A_57 = arith.constant 0 : i32
    %dma_wait3A_58 = arith.constant 0 : i32
    %dma_wait3A_59 = tpu.memref_slice %arg5[%dma_wait3A_42, %dma_wait3A_57, %dma_wait3A_58] : memref<4x8x2048xf32, #tpu.memory_space<vmem>> -> memref<1x8x2048xf32, #tpu.memory_space<vmem>>
    %dma_wait3A_60 = tpu.memref_squeeze %dma_wait3A_59 : memref<1x8x2048xf32, #tpu.memory_space<vmem>> -> memref<8x2048xf32, #tpu.memory_space<vmem>>
    tpu.wait_dma2 semaphore(%arg7 : memref<!tpu.dma_semaphore, #tpu.memory_space<semaphore_mem>>) src(%dma_wait3A_60 : memref<8x2048xf32, #tpu.memory_space<vmem>>) dst(%dma_wait3A_56 : memref<8x2048xf32, #tpu.memory_space<hbm>>)
    %dma_wait3A_61 = arith.constant 0 : i32
    %dma_wait3A_62 = arith.constant 0 : i32
    %dma_wait3A_63 = arith.constant 0 : i32
    %dma_wait3A_64 = arith.constant 0 : i32
    %dma_wait3A_65 = arith.constant 0 : i32
    %dma_wait3A_66 = tpu.memref_slice %arg5[%dma_wait3A_61, %dma_wait3A_64, %dma_wait3A_65] : memref<4x8x2048xf32, #tpu.memory_space<vmem>> -> memref<1x8x2048xf32, #tpu.memory_space<vmem>>
    %dma_wait3A_67 = tpu.memref_squeeze %dma_wait3A_66 : memref<1x8x2048xf32, #tpu.memory_space<vmem>> -> memref<8x2048xf32, #tpu.memory_space<vmem>>
    %dma_wait3A_68 = arith.constant 0 : i32
    %dma_wait3A_69 = arith.constant 0 : i32
    %dma_wait3A_70 = tpu.memref_slice %arg3[%dma_wait3A_62, %dma_wait3A_63, %dma_wait3A_68, %dma_wait3A_69] : memref<1x16x2048x2048xf32, #tpu.memory_space<hbm>> -> memref<1x1x8x2048xf32, #tpu.memory_space<hbm>>
    %dma_wait3A_71 = tpu.memref_squeeze %dma_wait3A_70 : memref<1x1x8x2048xf32, #tpu.memory_space<hbm>> -> memref<8x2048xf32, #tpu.memory_space<hbm>>
    %dma_wait3A_72 = arith.constant 0 : i32
    %dma_wait3A_73 = arith.constant 0 : i32
    %dma_wait3A_74 = tpu.memref_slice %arg3[%dma_wait3A_62, %dma_wait3A_63, %dma_wait3A_72, %dma_wait3A_73] : memref<1x16x2048x2048xf32, #tpu.memory_space<hbm>> -> memref<1x1x8x2048xf32, #tpu.memory_space<hbm>>
    %dma_wait3A_75 = tpu.memref_squeeze %dma_wait3A_74 : memref<1x1x8x2048xf32, #tpu.memory_space<hbm>> -> memref<8x2048xf32, #tpu.memory_space<hbm>>
    %dma_wait3A_76 = arith.constant 0 : i32
    %dma_wait3A_77 = arith.constant 0 : i32
    %dma_wait3A_78 = tpu.memref_slice %arg5[%dma_wait3A_61, %dma_wait3A_76, %dma_wait3A_77] : memref<4x8x2048xf32, #tpu.memory_space<vmem>> -> memref<1x8x2048xf32, #tpu.memory_space<vmem>>
    %dma_wait3A_79 = tpu.memref_squeeze %dma_wait3A_78 : memref<1x8x2048xf32, #tpu.memory_space<vmem>> -> memref<8x2048xf32, #tpu.memory_space<vmem>>
    tpu.wait_dma2 semaphore(%arg7 : memref<!tpu.dma_semaphore, #tpu.memory_space<semaphore_mem>>) src(%dma_wait3A_79 : memref<8x2048xf32, #tpu.memory_space<vmem>>) dst(%dma_wait3A_75 : memref<8x2048xf32, #tpu.memory_space<hbm>>)
    %dma_wait3A_80 = arith.constant 0 : i32
    %dma_wait3A_81 = arith.constant 0 : i32
    %dma_wait3A_82 = arith.constant 0 : i32
    %dma_wait3A_83 = arith.constant 0 : i32
    %dma_wait3A_84 = arith.constant 0 : i32
    %dma_wait3A_85 = tpu.memref_slice %arg5[%dma_wait3A_80, %dma_wait3A_83, %dma_wait3A_84] : memref<4x8x2048xf32, #tpu.memory_space<vmem>> -> memref<1x8x2048xf32, #tpu.memory_space<vmem>>
    %dma_wait3A_86 = tpu.memref_squeeze %dma_wait3A_85 : memref<1x8x2048xf32, #tpu.memory_space<vmem>> -> memref<8x2048xf32, #tpu.memory_space<vmem>>
    %dma_wait3A_87 = arith.constant 0 : i32
    %dma_wait3A_88 = arith.constant 0 : i32
    %dma_wait3A_89 = tpu.memref_slice %arg3[%dma_wait3A_81, %dma_wait3A_82, %dma_wait3A_87, %dma_wait3A_88] : memref<1x16x2048x2048xf32, #tpu.memory_space<hbm>> -> memref<1x1x8x2048xf32, #tpu.memory_space<hbm>>
    %dma_wait3A_90 = tpu.memref_squeeze %dma_wait3A_89 : memref<1x1x8x2048xf32, #tpu.memory_space<hbm>> -> memref<8x2048xf32, #tpu.memory_space<hbm>>
    %dma_wait3A_91 = arith.constant 0 : i32
    %dma_wait3A_92 = arith.constant 0 : i32
    %dma_wait3A_93 = tpu.memref_slice %arg3[%dma_wait3A_81, %dma_wait3A_82, %dma_wait3A_91, %dma_wait3A_92] : memref<1x16x2048x2048xf32, #tpu.memory_space<hbm>> -> memref<1x1x8x2048xf32, #tpu.memory_space<hbm>>
    %dma_wait3A_94 = tpu.memref_squeeze %dma_wait3A_93 : memref<1x1x8x2048xf32, #tpu.memory_space<hbm>> -> memref<8x2048xf32, #tpu.memory_space<hbm>>
    %dma_wait3A_95 = arith.constant 0 : i32
    %dma_wait3A_96 = arith.constant 0 : i32
    %dma_wait3A_97 = tpu.memref_slice %arg5[%dma_wait3A_80, %dma_wait3A_95, %dma_wait3A_96] : memref<4x8x2048xf32, #tpu.memory_space<vmem>> -> memref<1x8x2048xf32, #tpu.memory_space<vmem>>
    %dma_wait3A_98 = tpu.memref_squeeze %dma_wait3A_97 : memref<1x8x2048xf32, #tpu.memory_space<vmem>> -> memref<8x2048xf32, #tpu.memory_space<vmem>>
    tpu.wait_dma2 semaphore(%arg7 : memref<!tpu.dma_semaphore, #tpu.memory_space<semaphore_mem>>) src(%dma_wait3A_98 : memref<8x2048xf32, #tpu.memory_space<vmem>>) dst(%dma_wait3A_94 : memref<8x2048xf32, #tpu.memory_space<hbm>>)
    %dma_wait3A_99 = arith.constant 0 : i32
    %dma_wait3A_100 = arith.constant 0 : i32
    %dma_wait3A_101 = arith.constant 0 : i32
    %dma_wait3A_102 = arith.constant 0 : i32
    %dma_wait3A_103 = arith.constant 0 : i32
    %dma_wait3A_104 = tpu.memref_slice %arg5[%dma_wait3A_99, %dma_wait3A_102, %dma_wait3A_103] : memref<4x8x2048xf32, #tpu.memory_space<vmem>> -> memref<1x8x2048xf32, #tpu.memory_space<vmem>>
    %dma_wait3A_105 = tpu.memref_squeeze %dma_wait3A_104 : memref<1x8x2048xf32, #tpu.memory_space<vmem>> -> memref<8x2048xf32, #tpu.memory_space<vmem>>
    %dma_wait3A_106 = arith.constant 0 : i32
    %dma_wait3A_107 = arith.constant 0 : i32
    %dma_wait3A_108 = tpu.memref_slice %arg3[%dma_wait3A_100, %dma_wait3A_101, %dma_wait3A_106, %dma_wait3A_107] : memref<1x16x2048x2048xf32, #tpu.memory_space<hbm>> -> memref<1x1x8x2048xf32, #tpu.memory_space<hbm>>
    %dma_wait3A_109 = tpu.memref_squeeze %dma_wait3A_108 : memref<1x1x8x2048xf32, #tpu.memory_space<hbm>> -> memref<8x2048xf32, #tpu.memory_space<hbm>>
    %dma_wait3A_110 = arith.constant 0 : i32
    %dma_wait3A_111 = arith.constant 0 : i32
    %dma_wait3A_112 = tpu.memref_slice %arg3[%dma_wait3A_100, %dma_wait3A_101, %dma_wait3A_110, %dma_wait3A_111] : memref<1x16x2048x2048xf32, #tpu.memory_space<hbm>> -> memref<1x1x8x2048xf32, #tpu.memory_space<hbm>>
    %dma_wait3A_113 = tpu.memref_squeeze %dma_wait3A_112 : memref<1x1x8x2048xf32, #tpu.memory_space<hbm>> -> memref<8x2048xf32, #tpu.memory_space<hbm>>
    %dma_wait3A_114 = arith.constant 0 : i32
    %dma_wait3A_115 = arith.constant 0 : i32
    %dma_wait3A_116 = tpu.memref_slice %arg5[%dma_wait3A_99, %dma_wait3A_114, %dma_wait3A_115] : memref<4x8x2048xf32, #tpu.memory_space<vmem>> -> memref<1x8x2048xf32, #tpu.memory_space<vmem>>
    %dma_wait3A_117 = tpu.memref_squeeze %dma_wait3A_116 : memref<1x8x2048xf32, #tpu.memory_space<vmem>> -> memref<8x2048xf32, #tpu.memory_space<vmem>>
    tpu.wait_dma2 semaphore(%arg7 : memref<!tpu.dma_semaphore, #tpu.memory_space<semaphore_mem>>) src(%dma_wait3A_117 : memref<8x2048xf32, #tpu.memory_space<vmem>>) dst(%dma_wait3A_113 : memref<8x2048xf32, #tpu.memory_space<hbm>>)
    return
  }
}

</mosaic_0001>

<sc_bundles>
// kernel: _run_sc.3.cloned.1.call-start
scs
__scs_entry_jumppad:
0x0: {  	(pc) =	sbr.rel $0x88, $3  }
0x1: {  	(tag) =	ssettag $0x0;
	lr =	simm.s32 $0x1  }
0x2: {  	[smem:$0x3FA0] =	sst lr;
	_ =	strace $0xD0000000  }
0x3: {  	_ = 	snop  }
0x4: {  	_ = 	snop  }
0x5: {  	_ = 	snop  }
0x6: {  	_ = 	snop  }
0x7: {  	_ = 	snop  }
__scs_overlays_trampoline_lowered:
0x8: {  	[smem:$0x3FAF] =	sst s0  }
0x9: {  	[smem:$0x3FB0] =	sst s1  }
0xa: {  	[smem:$0x3FB1] =	sst s2  }
0xb: {  	[smem:$0x3FB2] =	sst s3  }
0xc: {  	[smem:$0x3FB3] =	sst s4  }
0xd: {  	[smem:$0x3FB4] =	sst s5  }
0xe: {  	[smem:$0x3FB5] =	sst s6  }
0xf: {  	[smem:$0x3FB6] =	sst s7  }
0x10: {  	[smem:$0x3FB7] =	sst s8  }
0x11: {  	[smem:$0x3FB8] =	sst s9;
	s0 =	simm.s32 @!p0 $0x0  }
0x12: {  	s1 =	sld [smem:$0x3F9E];
	s0 =	simm.s32 @p0 $0x1  }
0x13: {  	[smem:$0x3FB9] =	sst s0;
	s0 =	simm.s32 @!p1 $0x0  }
0x14: {  	s2 =	sld [smem:$0x3F9D];
	s0 =	simm.s32 @p1 $0x1  }
0x15: {  	[smem:$0x3FBA] =	sst s0;
	s0 =	simm.s32 @!p2 $0x0  }
0x16: {  	s3 =	sld [smem:$0x3FDB];
	s0 =	simm.s32 @p2 $0x1  }
0x17: {  	s4 =	simm.s32 $0x1BF5;
	[smem:$0x3FBC] =	sst s0  }
0x18: {  	s0 =	sld [smem:$0x3F9F];
	_ =	swait.ge [sflag:s4], $0x0  }
0x19: {  	s7 =	sld [smem:$0x3FA0]  }
0x1a: {  	s8 =	sadd.s32 $0xFFFFE003, lr  }
0x1b: {  	s9 =	sadd.s32 $0xFFFFFEF7, lr;
	s5 =	simm.s32 $0xFFFFFFFF;
	p2 =	slt.u32 s8, $0xFFFFF086  }
0x1c: {  	p1 =	slt.u32 s9, $0xF7A;
	s5 =	simm.s32 @!p2 $0x0  }
0x1d: {  	s5 =	simm.s32 @p1 $0x1;
	p0 =	seq.s32 s7, s2  }
0x1e: {  	s7 =	smul.u32 @!p0 $0xF7A, s2;
	p2 =	seq.s32 @!p0 s5, $0x0  }
0x1f: {  	s9 =	smul.u32 $0xF7A, s1;
	s8 =	simm.s32 @!p0 $0x1BF5;
	p2 =	por !p2, p0  }
0x20: {  	[sflag:s8] =	ssyncset.s32 @!p0 $0xFFFFF086;
	s6 =	sadd.s32 @!p0 s3, s7;
	s7 =	simm.s32 @!p0 $0x108  }
0x21: {  	s3 =	sadd.s32 s3, s9;
	s6 =	sadd.s32 @!p0 $0x88, s6;
	s7 =	simm.s32 @p2 $0x1082  }
0x22: {  	[simem:s7], [sflag:s8] =	dma.local @!p0 [hbm:s6], $0xF7A  }
0x23: {  	s9 =	sor.u32 $0xD0000000, s2;
	s6 =	simm.s32 $0x108;
	_ =	swait.ge @!p0 [sflag:s8], $0x0  }
0x24: {  	s3 =	sadd.s32 $0x88, s3;
	s6 =	simm.s32 @!p1 $0x1082;
	[sflag:s4] =	ssyncset.s32 $0xFFFFF086  }
0x25: {  	[simem:s6], [sflag:s4] =	dma.local [hbm:s3], $0xF7A  }
0x26: {  	[smem:$0x3FA0] =	sst s1;
	(tag) =	ssettag s2;
	_ =	strace s9  }
0x27: {  	s1 =	sld [smem:$0x3FB0]  }
0x28: {  	s2 =	sld [smem:$0x3FB1]  }
0x29: {  	s4 =	sld [smem:$0x3FB3]  }
0x2a: {  	p0 =	seq.s32 s5, $0x0;
	s5 =	sld [smem:$0x3FB4]  }
0x2b: {  	s6 =	sld [smem:$0x3FB5]  }
0x2c: {  	s7 =	sld [smem:$0x3FB6]  }
0x2d: {  	s3 =	simm.s32 $0x108;
	s8 =	sld [smem:$0x3FB7]  }
0x2e: {  	s3 =	simm.s32 @!p0 $0x1082;
	s9 =	sld [smem:$0x3FB8]  }
0x2f: {  	lr =	sadd.s32 s0, s3;
	s0 =	sld [smem:$0x3FAF]  }
0x30: {  	s3 =	sld [smem:$0x3FB2]  }
0x31: {  	[smem:$0x3FBB] =	sst s10  }
0x32: {  	s10 =	sld [smem:$0x3FB9];
	_ =	sdelay $0x3  }
0x33: {  	p0 =	seq.s32 s10, $0x1;
	s10 =	sld [smem:$0x3FBB];
	_ =	sdelay $0x3  }
0x34: {  	[smem:$0x3FBB] =	sst s10  }
0x35: {  	s10 =	sld [smem:$0x3FBA];
	_ =	sdelay $0x3  }
0x36: {  	p1 =	seq.s32 s10, $0x1;
	s10 =	sld [smem:$0x3FBB];
	_ =	sdelay $0x3  }
0x37: {  	[smem:$0x3FBB] =	sst s10  }
0x38: {  	s10 =	sld [smem:$0x3FBC]  }
0x39: {  	_ = 	snop;
	(pc) =	sbr.ind lr, $3  }
0x3a: {  	_ = 	snop  }
0x3b: {  	_ = 	snop  }
0x3c: {  	p2 =	seq.s32 s10, $0x1;
	s10 =	sld [smem:$0x3FBB]  }
0x3d: {  	_ =	shalt  }
0x3e: {  	_ =	shalt  }
0x3f: {  	_ =	shalt  }
0x40: {  	_ =	shalt  }
0x41: {  	_ =	shalt  }
0x42: {  	_ =	shalt  }
0x43: {  	_ =	shalt  }
0x44: {  	_ =	shalt  }
0x45: {  	_ =	shalt  }
0x46: {  	_ =	shalt  }
0x47: {  	_ =	shalt  }
0x48: {  	_ =	shalt  }
0x49: {  	_ =	shalt  }
0x4a: {  	_ =	shalt  }
0x4b: {  	_ =	shalt  }
0x4c: {  	_ =	shalt  }
0x4d: {  	_ =	shalt  }
0x4e: {  	_ =	shalt  }
0x4f: {  	_ =	shalt  }
0x50: {  	_ =	shalt  }
0x51: {  	_ =	shalt  }
0x52: {  	_ =	shalt  }
0x53: {  	_ =	shalt  }
0x54: {  	_ =	shalt  }
0x55: {  	_ =	shalt  }
0x56: {  	_ =	shalt  }
0x57: {  	_ =	shalt  }
0x58: {  	_ =	shalt  }
0x59: {  	_ =	shalt  }
0x5a: {  	_ =	shalt  }
0x5b: {  	_ =	shalt  }
0x5c: {  	_ =	shalt  }
0x5d: {  	_ =	shalt  }
0x5e: {  	_ =	shalt  }
0x5f: {  	_ =	shalt  }
0x60: {  	_ =	shalt  }
0x61: {  	_ =	shalt  }
0x62: {  	_ =	shalt  }
0x63: {  	_ =	shalt  }
0x64: {  	_ =	shalt  }
0x65: {  	_ =	shalt  }
0x66: {  	_ =	shalt  }
0x67: {  	_ =	shalt  }
0x68: {  	_ =	shalt  }
0x69: {  	_ =	shalt  }
0x6a: {  	_ =	shalt  }
0x6b: {  	_ =	shalt  }
0x6c: {  	_ =	shalt  }
0x6d: {  	_ =	shalt  }
0x6e: {  	_ =	shalt  }
0x6f: {  	_ =	shalt  }
0x70: {  	_ =	shalt  }
0x71: {  	_ =	shalt  }
0x72: {  	_ =	shalt  }
0x73: {  	_ =	shalt  }
0x74: {  	_ =	shalt  }
0x75: {  	_ =	shalt  }
0x76: {  	_ =	shalt  }
0x77: {  	_ =	shalt  }
0x78: {  	_ =	shalt  }
0x79: {  	_ =	shalt  }
0x7a: {  	_ =	shalt  }
0x7b: {  	_ =	shalt  }
0x7c: {  	_ =	shalt  }
0x7d: {  	_ =	shalt  }
0x7e: {  	_ =	shalt  }
0x7f: {  	_ =	shalt  }
0x80: {  	_ =	shalt  }
0x81: {  	_ =	shalt  }
0x82: {  	_ =	shalt  }
0x83: {  	_ =	shalt  }
0x84: {  	_ =	shalt  }
0x85: {  	_ =	shalt  }
0x86: {  	_ =	shalt  }
0x87: {  	_ =	shalt  }
.Lfunc_end0:
.L_simem_size_0:
called_computation_lowered:
.L_overlay_start_0:
0x88: {  	s2 =	sld [smem:$0x3FD9]  }
0x89: {  	s3 =	sld [smem:$0x3FFE];
	_ =	sdelay $0x1  }
0x8a: {  	s1 =	srdreg.scid  }
0x8b: {  	s0 =	sand.u32 $0x1, s1  }
0x8c: {  	s18 =	sshll.u32 s0, $0xA;
	s2 =	sadd.s32 s3, s2  }
0x8d: {  	s2 =	sadd.s32 s2, s18  }
0x8e: {  	[smem:$0x3FC7] =	sst s2  }
0x8f: {  	_ = 	snop  }
0x90: {  	s2 =	sld [smem:$0x3FC9]  }
0x91: {  	s19 =	sld [smem:$0x3FD0];
	(tm) =	ssettm $0x1  }
0x92: {  	s4 =	sld [smem:$0x3FFB];
	_ =	sdelay $0x3  }
0x93: {  	_ =	strace s4  }
0x94: {  	s4 =	sld [smem:$0x3FFC];
	_ =	sdelay $0x3  }
0x95: {  	_ =	strace s4  }
0x96: {  	s4 =	sld [smem:$0x3FFD];
	_ =	sdelay $0x3  }
0x97: {  	_ =	strace s4  }
0x98: {  	_ =	strace $0x8FFFFFFF  }
0x99: {  	s20 =	sld [smem:$0x3FDB];
	_ =	sdelay $0x1  }
0x9a: {  	s5 =	simm.s32 $_scs_section_size  }
0x9b: {  	s6 =	simm.s32 $_size__tile_overlayer_lowered;
	s7 =	simm.s32 $_tile_overlayer_lowered  }
0x9c: {  	s23 =	simm.s32 $0x1BFF;
	s22 =	sshll.u32 s7, $0x1;
	s4 =	sadd.s32 s5, s20  }
0x9d: {  	s8 =	simm.s32 $0x0;
	s21 =	sshll.u32 s6, $0x1;
	s6 =	sadd.s32 s22, s4  }
0x9e: {  	[timem:s8], [sflag:s23] =	dma.local [hbm:s6], s21  }
0x9f: {  	_ =	swait.ge [sflag:s23], s21  }
0xa0: {  	s5 =	ssub.s32 $0x0, s21;
	[sflag:s23] =	ssyncset.done $0x0  }
0xa1: {  	[sflag:s23] =	ssyncadd.s32 s5;
	_ =	sdelay $0x1  }
0xa2: {  	s24 =	simm.s32 $0x1B8B  }
0xa3: {  	_ =	swait.ge [sflag:s24], $0x1  }
0xa4: {  	[sflag:s24] =	ssyncset.done $0x0  }
0xa5: {  	s25 =	simm.s32 $0x1B8E;
	[sflag:s24] =	ssyncadd.s32 $0xFFFFFFFF  }
0xa6: {  	s26 =	simm.s32 $execute0_lowered;
	[smem:$0x3FD2] =	sst s25  }
0xa7: {  	s5 =	sshll.u32 s26, $0x1;
	_ =	strace $0x80000046;
	[dreg:$0x1] =	wrdreg $0xFFFFFFFF  }
0xa8: {  	s28 =	simm.s32 $_size_execute0_lowered;
	s4 =	sadd.s32 s4, s5;
	[dreg:$0x0] =	wrdreg $0x0  }
0xa9: {  	s5 =	sshll.u32 s28, $0x1;
	[dreg:$0x2] =	wrdreg s4  }
0xaa: {  	[dreg:$0x3] =	wrdreg s5  }
0xab: {  	[dreg:$0x4] =	wrdreg $0xC0  }
0xac: {  	_ =	task [dreg:s8], $0x5FFFF  }
0xad: {  	[dreg:$0x1] =	wrdreg $0xFFFFFFFF  }
0xae: {  	[dreg:$0x0] =	wrdreg $0x60  }
0xaf: {  	[dreg:$0x2] =	wrdreg s2  }
0xb0: {  	[dreg:$0x3] =	wrdreg s19  }
0xb1: {  	[dreg:$0x4] =	wrdreg $0x9  }
0xb2: {  	_ =	task.clear_ibuf [dreg:s8], $0x5FFFF;
	_ =	strace $0x90000046  }
0xb3: {  	s29 =	simm.s32 $0x9;
	_ =	strace $0x80000048  }
0xb4: {  	_ =	swait.ge [sflag:s29], $0x1  }
0xb5: {  	[sflag:s29] =	ssyncadd.s32 $0xFFFFFFFF  }
0xb6: {  	_ =	strace $0x90000048  }
0xb7: {  	_ =	sfence  }
0xb8: {  	s30 =	sld [smem:$0x0];
	_ =	sdelay $0x2  }
0xb9: {  	s31 =	sshll.u32 s1, $0xD;
	s1 =	sshrl.u32 s1, $0x2  }
0xba: {  	s3 =	sand.u32 $0x4000, s31;
	s1 =	sadd.s32 s1, s30  }
0xbb: {  	s0 =	sor.u32 s3, s0;
	s1 =	sshll.u32 s1, $0x11  }
0xbc: {  	s0 =	sor.u32 s1, s0  }
0xbd: {  	s0 =	sadd.s32 $0x8F2B, s0  }
0xbe: {  	[sflag:s0] =	ssyncadd.remote.s32 $0x1  }
0xbf: {  	_ =	sfence.sel $0xFFFF  }
0xc0: {  	[dreg:$0x0] =	wrdreg $0xFFFFFFFF;
	(pc) =	sbr.abs _section_cstart, $3  }
0xc1: {  	[dreg:$0x1] =	wrdreg $0xFFFFFFFF  }
0xc2: {  	_ =	task.clear_ibuf [dreg:s8], $0x2FFFF;
	_ =	strace $0x9FFFFFFF  }
0xc3: {  	(tm) =	ssettm $0x7FFFFFFF  }
tec
execute0_lowered:
.L_overlay_start_1:
0x0: {  	(tag) =	ssettag $0x1  }
0x1: {  	s0 =	srdreg.scid;
	s5 =	stileid.u32  }
0x2: {  	s2 =	rddreg [dreg:$0x0];
	s20 =	simm.s32 $0x0;
	s0 =	sand.u32 $0x1, s0  }
0x3: {  	[smem:$0x7FF] =	sst s20;
	s1 =	sor.u32 s0, s5;
	p1 =	seq.s32 s0, $0x1  }
0x4: {  	s3 =	ssub.s32 $0x2, s0;
	_ =	strace $0x80000047;
	s22 =	sshll.u32 s0, $0xC  }
0x5: {  	s0 =	sshll.u32 s0, $0xA;
	p0 =	seq.s32 s1, $0x0;
	s1 =	simm.s32 $0x1  }
0x6: {  	s4 =	sshrl.u32 s3, $0x1;
	[dreg:$0x3] =	wrdreg s0;
	s24 =	ssub.s32 $0x20BC, s22  }
0x7: {  	s26 =	ssub.s32 $0x209C, s22;
	s28 =	ssub.s32 $0x207C, s22;
	s29 =	ssub.s32 $0x205C, s22  }
0x8: {  	p0 =	por !p0, !p1;
	s3 =	ssub.s32 s3, s4;
	s0 =	sshrl.u32 s24, $0x2  }
0x9: {  	s30 =	sshrl.u32 s28, $0x2;
	p0 =	por !p0, !p0;
	[dreg:$0x7] =	wrdreg s0  }
0xa: {  	s31 =	sshrl.u32 s29, $0x2;
	[dreg:$0x9] =	wrdreg s30;
	s1 =	simm.s32 @!p0 $0x0  }
0xb: {  	s25 =	smax.u32 s3, $0x1;
	[dreg:$0xa] =	wrdreg s31;
	s1 =	ssub.s32 s5, s1  }
0xc: {  	s0 =	sshrl.u32 s26, $0x2;
	[dreg:$0x6] =	wrdreg s25;
	s21 =	sshll.u32 s1, $0x9  }
0xd: {  	[dreg:$0x8] =	wrdreg s0;
	s4 =	sand.u32 $0x1FFFFE00, s21;
	s21 =	sshll.u32 s1, $0x16  }
0xe: {  	s23 =	sadd.s32 s2, s4;
	[dreg:$0x5] =	wrdreg s21  }
0xf: {  	s2 =	simm.s32 $0x0;
	[dreg:$0x4] =	wrdreg s23  }
.LBB2_1:
0x10: {  	[dreg:$0xb] =	wrdreg s2  }
0x11: {  	s0 =	rddreg [dreg:$0x4];
	s30 =	simm.s32 $0x1  }
0x12: {  	[tilespmem:s20], [sflag:$0x1] =	stream.linear.gather [hbm4b:s0+s20], $0x1000, $0x38;
	[tilespmem:$0x11000] =	vst v63  }
0x13: {  	_ =	swait.ge [sflag:s30], $0x1000  }
0x14: {  	s22 =	rddreg [dreg:$0xa]  }
0x15: {  	s23 =	rddreg [dreg:$0x9]  }
0x16: {  	s31 =	rddreg [dreg:$0x8]  }
0x17: {  	[sflag:s30] =	ssyncset.done $0x0;
	s19 =	rddreg [dreg:$0x7]  }
0x18: {  	s2 =	simm.s32 $0x0;
	[sflag:s30] =	ssyncadd.s32 $0xFFFFF000;
	[dreg:$0xe] =	wrdreg s31  }
.LBB2_2:
0x19: {  	[dreg:$0xd] =	wrdreg s23;
	p0 =	seq.s32 s2, $0x0  }
0x1a: {  	[dreg:$0xc] =	wrdreg s22;
	s0 =	simm.s32 @!p0 $0x2  }
0x1b: {  	_ =	swait.ge @!p0 [sflag:s0], $0x4000  }
0x1c: {  	[sflag:s0] =	ssyncset.done @!p0 $0x0  }
0x1d: {  	[sflag:s0] =	ssyncadd.s32 @!p0 $0xFFFFC000  }
0x1e: {  	v0 =	vld [tilespmem:s19+$0x0]  }
0x1f: {  	s1 =	simm.s32 $0x0  }
0x20: {  	s3 =	simm.s32 $0x30;
	s8 =	sand.u32 $0x3C00, s1  }
0x21: {  	s3 =	sand.u32 $0x70, s3;
	s0 =	sadd.s32 $0x1000, s8  }
0x22: {  	s3 =	sor.u32 s3, s0  }
0x23: {  	v1 =	vld [tilespmem:s19+$0xFFFFFFD0];
	[tilespmem:s3+$0x0] =	vst v0  }
0x24: {  	v0 =	vld [tilespmem:s19+$0xFFFFFFFF];
	_ =	sdelay $0x1  }
0x25: {  	s5 =	sand.u32 $0x40, s1;
	v2 =	vld [tilespmem:s19+$0xFFFFFFE0]  }
0x26: {  	v3 =	vld [tilespmem:s19+$0xFFFFFFF0];
	s5 =	sor.u32 s5, s0  }
0x27: {  	s4 =	simm.s32 $0x10;
	[tilespmem:s5+$0x0] =	vst v1  }
0x28: {  	s6 =	simm.s32 $0x20;
	s4 =	sand.u32 $0x50, s4;
	v1 =	vld [tilespmem:s19+$0xFFFFFFCF];
	[tilespmem:s3+$0x80] =	vst v0  }
0x29: {  	s6 =	sand.u32 $0x60, s6;
	s4 =	sor.u32 s4, s0;
	v0 =	vld [tilespmem:s19+$0xFFFFFFFE]  }
0x2a: {  	s6 =	sor.u32 s6, s0;
	[tilespmem:s4+$0x0] =	vst v2  }
0x2b: {  	[tilespmem:s6+$0x0] =	vst v3;
	v2 =	vld [tilespmem:s19+$0xFFFFFFDF]  }
0x2c: {  	v3 =	vld [tilespmem:s19+$0xFFFFFFEF]  }
0x2d: {  	[tilespmem:s5+$0x80] =	vst v1  }
0x2e: {  	v1 =	vld [tilespmem:s19+$0xFFFFFFCE];
	[tilespmem:s3+$0x100] =	vst v0  }
0x2f: {  	v0 =	vld [tilespmem:s19+$0xFFFFFFFD]  }
0x30: {  	[tilespmem:s4+$0x80] =	vst v2  }
0x31: {  	[tilespmem:s6+$0x80] =	vst v3;
	v2 =	vld [tilespmem:s19+$0xFFFFFFDE]  }
0x32: {  	v3 =	vld [tilespmem:s19+$0xFFFFFFEE]  }
0x33: {  	[tilespmem:s5+$0x100] =	vst v1  }
0x34: {  	v1 =	vld [tilespmem:s19+$0xFFFFFFCD];
	[tilespmem:s3+$0x180] =	vst v0  }
0x35: {  	s9 =	sand.u32 $0x7, s1;
	v0 =	vld [tilespmem:s19+$0xFFFFFFFC]  }
0x36: {  	s0 =	sshll.u32 s9, $0x4;
	[tilespmem:s4+$0x100] =	vst v2  }
0x37: {  	s10 =	sadd.s32 $0x0, s0;
	[tilespmem:s6+$0x100] =	vst v3;
	v2 =	vld [tilespmem:s19+$0xFFFFFFDD]  }
0x38: {  	s0 =	sadd.s32 $0x30, s10;
	v3 =	vld [tilespmem:s19+$0xFFFFFFED]  }
0x39: {  	s11 =	sor.u32 $0x200, s0;
	[tilespmem:s5+$0x180] =	vst v1  }
0x3a: {  	p1 =	por $0x0, $0x0;
	s5 =	simm.s32 $0x1;
	v1 =	vld [tilespmem:s19+$0xFFFFFFCC];
	[tilespmem:s11+$0x1000] =	vst v0  }
0x3b: {  	s24 =	sadd.s32 $0x40, s19;
	s5 =	simm.s32 @!p1 $0x0;
	v0 =	vld [tilespmem:s19+$0xFFFFFFFB]  }
0x3c: {  	s25 =	simm.s32 $0x200;
	v5 =	vld [tilespmem:s24+$0xFFFFFFD0];
	[tilespmem:s4+$0x180] =	vst v2;
	s12 =	sshll.u32 s5, $0x6  }
0x3d: {  	s26 =	simm.s32 $0x40;
	s1 =	sand.u32 $0x3, s1;
	[tilespmem:s6+$0x180] =	vst v3;
	v2 =	vld [tilespmem:s19+$0xFFFFFFDC];
	s4 =	sadd.s32 $0x0, s12  }
0x3e: {  	s14 =	sand.u32 $0x3C00, s25;
	s18 =	sand.u32 $0x40, s26;
	v3 =	vld [tilespmem:s19+$0xFFFFFFEC];
	s13 =	sor.u32 $0x200, s4  }
0x3f: {  	s1 =	sshll.u32 s1, $0x5;
	s9 =	sadd.s32 $0x1000, s14;
	s7 =	sor.u32 $0x280, s0;
	[tilespmem:s13+$0x1000] =	vst v1;
	v1 =	vld [tilespmem:s24+$0xFFFFFFE0]  }
0x40: {  	s1 =	sadd.s32 $0x0, s1;
	v4 =	vld [tilespmem:s24+$0x0];
	s6 =	sor.u32 s18, s9;
	s5 =	sadd.s32 $0x10, s10;
	[tilespmem:s7+$0x1000] =	vst v0  }
0x41: {  	s17 =	simm.s32 $0x50;
	[tilespmem:s6+$0x0] =	vst v5;
	s10 =	sadd.s32 $0x20, s1;
	s8 =	sor.u32 $0x200, s5;
	v0 =	vld [tilespmem:s19+$0xFFFFFFFA]  }
0x42: {  	s15 =	simm.s32 $0x70;
	s20 =	sand.u32 $0x50, s17;
	v6 =	vld [tilespmem:s24+$0xFFFFFFF0];
	s1 =	sor.u32 $0x200, s10;
	[tilespmem:s8+$0x1000] =	vst v2  }
0x43: {  	s16 =	sand.u32 $0x70, s15;
	s3 =	sor.u32 s20, s9;
	v5 =	vld [tilespmem:s24+$0xFFFFFFCF];
	[tilespmem:s1+$0x1000] =	vst v3  }
0x44: {  	s21 =	simm.s32 $0x60;
	v2 =	vld [tilespmem:s19+$0xFFFFFFCB];
	[tilespmem:s3+$0x0] =	vst v1;
	s7 =	sor.u32 s16, s9  }
0x45: {  	s22 =	sand.u32 $0x60, s21;
	s23 =	sor.u32 $0x300, s0;
	v1 =	vld [tilespmem:s24+$0xFFFFFFDF];
	[tilespmem:s7+$0x0] =	vst v4  }
0x46: {  	s1 =	sor.u32 s22, s9;
	v3 =	vld [tilespmem:s24+$0xFFFFFFFF];
	[tilespmem:s23+$0x1000] =	vst v0  }
0x47: {  	[tilespmem:s1+$0x0] =	vst v6;
	v0 =	vld [tilespmem:s19+$0xFFFFFFF9]  }
0x48: {  	[tilespmem:s6+$0x80] =	vst v5;
	v6 =	vld [tilespmem:s24+$0xFFFFFFEF];
	s9 =	sor.u32 $0x280, s4  }
0x49: {  	v5 =	vld [tilespmem:s24+$0xFFFFFFCE];
	[tilespmem:s9+$0x1000] =	vst v2  }
0x4a: {  	v4 =	vld [tilespmem:s19+$0xFFFFFFDB];
	[tilespmem:s3+$0x80] =	vst v1  }
0x4b: {  	s0 =	sor.u32 $0x380, s0;
	v2 =	vld [tilespmem:s19+$0xFFFFFFEB];
	[tilespmem:s7+$0x80] =	vst v3  }
0x4c: {  	v1 =	vld [tilespmem:s24+$0xFFFFFFDE];
	[tilespmem:s0+$0x1000] =	vst v0  }
0x4d: {  	v3 =	vld [tilespmem:s24+$0xFFFFFFFE];
	[dreg:$0x10] =	wrdreg s2  }
0x4e: {  	[tilespmem:s1+$0x80] =	vst v6  }
0x4f: {  	s11 =	sshll.u32 s2, $0x5;
	s12 =	rddreg [dreg:$0x3]  }
0x50: {  	s0 =	sor.u32 s12, s11  }
0x51: {  	v0 =	vld [tilespmem:s19+$0xFFFFFFCA];
	[dreg:$0x11] =	wrdreg s0  }
0x52: {  	s13 =	sor.u32 $0x280, s5;
	[tilespmem:s7+$0x100] =	vst v3  }
0x53: {  	s31 =	simm.s32 $0x4;
	p1 =	por !p1, !p1;
	s14 =	sor.u32 $0x280, s10;
	v6 =	vld [tilespmem:s24+$0xFFFFFFEE];
	[tilespmem:s13+$0x1000] =	vst v4  }
0x54: {  	s17 =	sor.u32 $0x300, s10;
	s15 =	sor.u32 $0x300, s4;
	s16 =	simm.s32 $0x2;
	[tilespmem:s6+$0x100] =	vst v5;
	v3 =	vld [tilespmem:s24+$0xFFFFFFFD]  }
0x55: {  	s4 =	sor.u32 $0x380, s4;
	s18 =	sand.u32 $0x3, s16;
	s12 =	sor.u32 $0x300, s5;
	[tilespmem:s3+$0x100] =	vst v1;
	v5 =	vld [tilespmem:s24+$0xFFFFFFCD]  }
0x56: {  	s11 =	sor.u32 $0x380, s5;
	s5 =	sshll.u32 s18, $0x5;
	s18 =	simm.s32 $0x4;
	[tilespmem:s14+$0x1000] =	vst v2;
	v1 =	vld [tilespmem:s24+$0xFFFFFFDD]  }
0x57: {  	s0 =	sor.u32 $0x380, s10;
	s5 =	sadd.s32 $0x200, s5;
	s13 =	simm.s32 $0x1;
	v4 =	vld [tilespmem:s19+$0xFFFFFFDA];
	[tilespmem:s15+$0x1000] =	vst v0  }
0x58: {  	s10 =	simm.s32 $0x4;
	s5 =	sadd.s32 $0x20, s5;
	s13 =	simm.s32 @!p1 $0x0;
	[tilespmem:s1+$0x100] =	vst v6;
	v6 =	vld [tilespmem:s19+$0xFFFFFFEA]  }
0x59: {  	s21 =	sand.u32 $0x7, s10;
	s14 =	sor.u32 $0x200, s5;
	s20 =	sshll.u32 s13, $0x6;
	v7 =	vld [tilespmem:s24+$0xFFFFFFED];
	[tilespmem:s7+$0x180] =	vst v3  }
0x5a: {  	s9 =	sor.u32 $0x280, s5;
	s30 =	sor.u32 $0x300, s5;
	s13 =	sadd.s32 $0x200, s20;
	[tilespmem:s6+$0x180] =	vst v5;
	v8 =	vld [tilespmem:s24+$0xFFFFFFFC]  }
0x5b: {  	s29 =	sor.u32 $0x380, s5;
	v0 =	vld [tilespmem:s19+$0xFFFFFFC9];
	s16 =	sor.u32 $0x200, s13;
	s7 =	sshll.u32 s21, $0x4;
	[tilespmem:s3+$0x180] =	vst v1  }
0x5c: {  	s8 =	sor.u32 $0x280, s13;
	s28 =	sor.u32 $0x380, s13;
	[tilespmem:s12+$0x1000] =	vst v4;
	s7 =	sadd.s32 $0x200, s7;
	v3 =	vld [tilespmem:s24+$0xFFFFFFCC]  }
0x5d: {  	s6 =	sor.u32 $0x300, s13;
	v2 =	vld [tilespmem:s24+$0xFFFFFFDC];
	s13 =	sadd.s32 $0x30, s7;
	s22 =	sadd.s32 $0x10, s7;
	[tilespmem:s17+$0x1000] =	vst v6  }
0x5e: {  	p1 =	por !p1, !p1;
	v1 =	vld [tilespmem:s19+$0xFFFFFFD9];
	s23 =	sor.u32 $0x200, s13;
	s15 =	sor.u32 $0x280, s22;
	[tilespmem:s1+$0x180] =	vst v7  }
0x5f: {  	s12 =	sor.u32 $0x300, s22;
	s5 =	sor.u32 $0x380, s22;
	s17 =	smov.u32 s24;
	v5 =	vld [tilespmem:s24+$0xFFFFFFEC];
	[tilespmem:s23+$0x1000] =	vst v8  }
0x60: {  	s1 =	sor.u32 $0x200, s22;
	s22 =	smov.u32 s19;
	v4 =	vld [tilespmem:s24+$0xFFFFFFFB];
	[dreg:$0xf] =	wrdreg s19  }
.LBB2_3:
0x61: {  	s7 =	simm.s32 $0x1  }
0x62: {  	s3 =	sand.u32 $0x3, s18;
	[tilespmem:s16+$0x1000] =	vst v3;
	s24 =	sadd.s32 $0x40, s24;
	v3 =	vld [tilespmem:s22+$0xFFFFFFE9];
	s7 =	simm.s32 @!p1 $0x0  }
0x63: {  	s31 =	sadd.s32 $0x4, s31;
	s3 =	sshll.u32 s3, $0x5;
	s16 =	sshll.u32 s7, $0x6;
	v6 =	vld [tilespmem:s24+$0x0];
	[tilespmem:s1+$0x1000] =	vst v2  }
0x64: {  	s25 =	sadd.s32 $0x200, s25;
	s26 =	sadd.s32 $0x40, s26;
	p2 =	slt.u32 s31, $0x7C;
	v2 =	vld [tilespmem:s24+$0xFFFFFFD0];
	[tilespmem:s4+$0x1000] =	vst v0  }
0x65: {  	s1 =	sand.u32 $0x3C00, s25;
	s7 =	sor.u32 $0x280, s13;
	s4 =	sadd.s32 $0x30, s26;
	v0 =	vld [tilespmem:s24+$0xFFFFFFE0];
	[tilespmem:s14+$0x1000] =	vst v5  }
0x66: {  	s14 =	sadd.s32 $0x1000, s1;
	s1 =	sadd.s32 $0x10, s26;
	s4 =	sand.u32 $0x70, s4;
	v5 =	vld [tilespmem:s24+$0xFFFFFFF0];
	[tilespmem:s7+$0x1000] =	vst v4  }
0x67: {  	s19 =	sadd.s32 $0x20, s26;
	s7 =	sand.u32 $0x50, s1;
	s1 =	sor.u32 s4, s14;
	v4 =	vld [tilespmem:s17+$0xFFFFFFFA];
	[tilespmem:s11+$0x1000] =	vst v1  }
0x68: {  	s4 =	sand.u32 $0x40, s26;
	s7 =	sor.u32 s7, s14;
	s11 =	sand.u32 $0x60, s19;
	[tilespmem:s1+$0x0] =	vst v6;
	v1 =	vld [tilespmem:s17+$0xFFFFFFCB]  }
0x69: {  	s22 =	sadd.s32 s25, s3;
	s19 =	sor.u32 s4, s14;
	s3 =	sor.u32 s11, s14;
	v6 =	vld [tilespmem:s24+$0xFFFFFFFF];
	[tilespmem:s0+$0x1000] =	vst v3  }
0x6a: {  	s4 =	sadd.s32 $0x20, s22;
	s22 =	smov.u32 s17;
	s0 =	sadd.s32 s16, s25;
	[tilespmem:s19+$0x0] =	vst v2;
	v2 =	vld [tilespmem:s17+$0xFFFFFFDB]  }
0x6b: {  	s14 =	sor.u32 $0x200, s4;
	s11 =	sor.u32 $0x300, s13;
	s16 =	sor.u32 $0x200, s0;
	v3 =	vld [tilespmem:s24+$0xFFFFFFCF];
	[tilespmem:s7+$0x0] =	vst v0  }
0x6c: {  	s21 =	sor.u32 $0x280, s4;
	s23 =	sor.u32 $0x300, s4;
	s20 =	sor.u32 $0x280, s0;
	v0 =	vld [tilespmem:s24+$0xFFFFFFDF];
	[tilespmem:s11+$0x1000] =	vst v4  }
0x6d: {  	s2 =	sor.u32 $0x300, s0;
	s0 =	sor.u32 $0x380, s0;
	s11 =	sor.u32 $0x380, s4;
	[tilespmem:s3+$0x0] =	vst v5;
	v4 =	vld [tilespmem:s22+$0xFFFFFFF9]  }
0x6e: {  	s17 =	smov.u32 s24;
	s4 =	smov.u32 s28;
	s28 =	smov.u32 s0;
	v5 =	vld [tilespmem:s24+$0xFFFFFFEF];
	[tilespmem:s1+$0x80] =	vst v6  }
0x6f: {  	s0 =	smov.u32 s29;
	s29 =	smov.u32 s11;
	v6 =	vld [tilespmem:s24+$0xFFFFFFFE];
	[tilespmem:s8+$0x1000] =	vst v1;
	s8 =	smov.u32 s20  }
0x70: {  	s11 =	smov.u32 s5;
	[tilespmem:s19+$0x80] =	vst v3;
	v1 =	vld [tilespmem:s22+$0xFFFFFFEB]  }
0x71: {  	s5 =	sor.u32 $0x380, s13;
	v3 =	vld [tilespmem:s24+$0xFFFFFFCE];
	[tilespmem:s7+$0x80] =	vst v0  }
0x72: {  	v0 =	vld [tilespmem:s24+$0xFFFFFFDE];
	[tilespmem:s5+$0x1000] =	vst v4  }
0x73: {  	[tilespmem:s3+$0x80] =	vst v5;
	v4 =	vld [tilespmem:s22+$0xFFFFFFCA]  }
0x74: {  	v5 =	vld [tilespmem:s24+$0xFFFFFFEE];
	[tilespmem:s1+$0x100] =	vst v6  }
0x75: {  	v6 =	vld [tilespmem:s24+$0xFFFFFFFD];
	[tilespmem:s15+$0x1000] =	vst v2  }
0x76: {  	[tilespmem:s19+$0x100] =	vst v3;
	v7 =	vld [tilespmem:s22+$0xFFFFFFDA]  }
0x77: {  	v2 =	vld [tilespmem:s24+$0xFFFFFFCD];
	[tilespmem:s7+$0x100] =	vst v0  }
0x78: {  	v8 =	vld [tilespmem:s24+$0xFFFFFFDD];
	[tilespmem:s9+$0x1000] =	vst v1;
	s9 =	smov.u32 s21  }
0x79: {  	[tilespmem:s3+$0x100] =	vst v5;
	v9 =	vld [tilespmem:s22+$0xFFFFFFEA]  }
0x7a: {  	s10 =	sadd.s32 $0x4, s10;
	v1 =	vld [tilespmem:s24+$0xFFFFFFED];
	[tilespmem:s1+$0x180] =	vst v6  }
0x7b: {  	s1 =	sand.u32 $0x7, s10;
	v6 =	vld [tilespmem:s24+$0xFFFFFFFC];
	[tilespmem:s6+$0x1000] =	vst v4;
	s6 =	smov.u32 s2  }
0x7c: {  	s1 =	sshll.u32 s1, $0x4;
	[tilespmem:s19+$0x180] =	vst v2;
	v0 =	vld [tilespmem:s22+$0xFFFFFFC9]  }
.Ltmp0:
0x7d: {  	s1 =	sadd.s32 s25, s1;
	v3 =	vld [tilespmem:s24+$0xFFFFFFCC];
	[tilespmem:s7+$0x180] =	vst v8;
	(pc) =	sbr.rel @p2 .LBB2_3-.Ltmp0, $4  }
0x7e: {  	s2 =	sadd.s32 $0x10, s1;
	s13 =	sadd.s32 $0x30, s1;
	v2 =	vld [tilespmem:s24+$0xFFFFFFDC];
	[tilespmem:s12+$0x1000] =	vst v7  }
0x7f: {  	s1 =	sor.u32 $0x200, s2;
	s15 =	sor.u32 $0x280, s2;
	[tilespmem:s3+$0x180] =	vst v1;
	s3 =	sor.u32 $0x200, s13;
	v1 =	vld [tilespmem:s22+$0xFFFFFFD9]  }
0x80: {  	s12 =	sor.u32 $0x300, s2;
	s5 =	sor.u32 $0x380, s2;
	v5 =	vld [tilespmem:s24+$0xFFFFFFEC];
	[tilespmem:s3+$0x1000] =	vst v6  }
0x81: {  	s18 =	sadd.s32 $0x2, s18;
	p1 =	por !p1, !p1;
	v4 =	vld [tilespmem:s24+$0xFFFFFFFB];
	[tilespmem:s30+$0x1000] =	vst v9;
	s30 =	smov.u32 s23  }
0x82: {  	[tilespmem:s16+$0x1000] =	vst v3  }
0x83: {  	[tilespmem:s1+$0x1000] =	vst v2;
	v2 =	vld [tilespmem:s17+$0xFFFFFFCB];
	_ =	sdelay $0x2  }
0x84: {  	s21 =	sor.u32 $0x280, s13;
	v3 =	vld [tilespmem:s17+$0xFFFFFFDB];
	[tilespmem:s14+$0x1000] =	vst v5  }
0x85: {  	v5 =	vld [tilespmem:s17+$0xFFFFFFEB];
	[tilespmem:s21+$0x1000] =	vst v4  }
0x86: {  	v4 =	vld [tilespmem:s17+$0xFFFFFFFA];
	[tilespmem:s8+$0x1000] =	vst v2  }
0x87: {  	v2 =	vld [tilespmem:s17+$0xFFFFFFCA]  }
0x88: {  	[tilespmem:s4+$0x1000] =	vst v0  }
0x89: {  	v0 =	vld [tilespmem:s22+$0xFFFFFFE9];
	[tilespmem:s15+$0x1000] =	vst v3  }
0x8a: {  	s23 =	sor.u32 $0x300, s13;
	v3 =	vld [tilespmem:s17+$0xFFFFFFDA];
	[tilespmem:s9+$0x1000] =	vst v5  }
0x8b: {  	v5 =	vld [tilespmem:s17+$0xFFFFFFEA];
	[tilespmem:s23+$0x1000] =	vst v4  }
0x8c: {  	v4 =	vld [tilespmem:s17+$0xFFFFFFF9];
	[tilespmem:s6+$0x1000] =	vst v2  }
0x8d: {  	[tilespmem:s11+$0x1000] =	vst v1;
	v2 =	vld [tilespmem:s17+$0xFFFFFFC9]  }
0x8e: {  	[tilespmem:s0+$0x1000] =	vst v0  }
0x8f: {  	[tilespmem:s12+$0x1000] =	vst v3  }
0x90: {  	s24 =	sor.u32 $0x380, s13;
	v3 =	vld [tilespmem:s17+$0xFFFFFFD9];
	[tilespmem:s30+$0x1000] =	vst v5  }
0x91: {  	v1 =	vld [tilespmem:s17+$0xFFFFFFE9];
	[tilespmem:s24+$0x1000] =	vst v4  }
0x92: {  	s0 =	rddreg [dreg:$0x11];
	[tilespmem:s28+$0x1000] =	vst v2  }
0x93: {  	s24 =	sshll.u32 s0, $0xB;
	s21 =	rddreg [dreg:$0x5]  }
0x94: {  	s0 =	sadd.s32 s21, s24  }
0x95: {  	s19 =	rddreg [dreg:$0x1];
	[tilespmem:s5+$0x1000] =	vst v3;
	s0 =	sshrl.u32 s0, $0x3  }
0x96: {  	s20 =	simm.s32 $0x0;
	s25 =	simm.s32 $0x1000;
	[tilespmem:s29+$0x1000] =	vst v1;
	s0 =	sadd.s32 s19, s0  }
0x97: {  	[hbm4b:s0+s20] =	stream.linear.scatter [tilespmem:s25], [sflag:$0x2], $0x4000, $0x38;
	[tilespmem:$0x11000] =	vst v63  }
0x98: {  	s0 =	simm.s32 @!p0 $0x2  }
0x99: {  	_ =	swait.ge @!p0 [sflag:s0], $0x4000  }
0x9a: {  	[sflag:s0] =	ssyncset.done @!p0 $0x0  }
0x9b: {  	s11 =	rddreg [dreg:$0xe];
	[sflag:s0] =	ssyncadd.s32 @!p0 $0xFFFFC000  }
0x9c: {  	v0 =	vld [tilespmem:s11+$0x0]  }
0x9d: {  	s26 =	simm.s32 $0x0;
	v1 =	vld [tilespmem:s11+$0xFFFFFFE0]  }
0x9e: {  	s4 =	simm.s32 $0x30;
	s5 =	sand.u32 $0x3C00, s26;
	v2 =	vld [tilespmem:s11+$0xFFFFFFF0]  }
0x9f: {  	s3 =	simm.s32 $0x10;
	s9 =	sand.u32 $0x70, s4;
	s2 =	sadd.s32 $0x5000, s5;
	v3 =	vld [tilespmem:s11+$0xFFFFFFD0]  }
0xa0: {  	s4 =	sand.u32 $0x50, s3;
	s6 =	simm.s32 $0x20;
	s1 =	sor.u32 s9, s2  }
0xa1: {  	s6 =	sand.u32 $0x60, s6;
	s3 =	sor.u32 s4, s2;
	[tilespmem:s1+$0x0] =	vst v0  }
0xa2: {  	s8 =	sand.u32 $0x40, s26;
	s7 =	sor.u32 s6, s2;
	[tilespmem:s3+$0x0] =	vst v1;
	v0 =	vld [tilespmem:s11+$0xFFFFFFFF]  }
0xa3: {  	s10 =	sor.u32 s8, s2;
	[tilespmem:s7+$0x0] =	vst v2;
	v1 =	vld [tilespmem:s11+$0xFFFFFFDF]  }
0xa4: {  	[tilespmem:s10+$0x0] =	vst v3;
	v2 =	vld [tilespmem:s11+$0xFFFFFFEF]  }
0xa5: {  	s12 =	sadd.s32 $0x5080, s5;
	v3 =	vld [tilespmem:s11+$0xFFFFFFCF]  }
0xa6: {  	s13 =	sor.u32 s9, s12  }
0xa7: {  	s14 =	sor.u32 s4, s12;
	[tilespmem:s13+$0x0] =	vst v0  }
0xa8: {  	s15 =	sor.u32 s6, s12;
	[tilespmem:s14+$0x0] =	vst v1;
	v0 =	vld [tilespmem:s11+$0xFFFFFFFE]  }
0xa9: {  	s0 =	sor.u32 s8, s12;
	[tilespmem:s15+$0x0] =	vst v2;
	v1 =	vld [tilespmem:s11+$0xFFFFFFDE]  }
0xaa: {  	[tilespmem:s0+$0x0] =	vst v3;
	v2 =	vld [tilespmem:s11+$0xFFFFFFEE]  }
0xab: {  	s16 =	sadd.s32 $0x5100, s5;
	v3 =	vld [tilespmem:s11+$0xFFFFFFCE]  }
0xac: {  	s17 =	sor.u32 s9, s16  }
0xad: {  	s18 =	sor.u32 s4, s16;
	[tilespmem:s17+$0x0] =	vst v0  }
0xae: {  	s22 =	sor.u32 s6, s16;
	[tilespmem:s18+$0x0] =	vst v1;
	v0 =	vld [tilespmem:s11+$0xFFFFFFFD]  }
0xaf: {  	s1 =	sor.u32 s8, s16;
	[tilespmem:s22+$0x0] =	vst v2;
	v1 =	vld [tilespmem:s11+$0xFFFFFFDD]  }
0xb0: {  	[tilespmem:s1+$0x0] =	vst v3;
	v2 =	vld [tilespmem:s11+$0xFFFFFFED]  }
0xb1: {  	s23 =	sadd.s32 $0x5180, s5;
	v3 =	vld [tilespmem:s11+$0xFFFFFFCD]  }
0xb2: {  	s25 =	sor.u32 s9, s23  }
0xb3: {  	s26 =	sor.u32 s4, s23;
	[tilespmem:s25+$0x0] =	vst v0  }
0xb4: {  	s3 =	sor.u32 s6, s23;
	[tilespmem:s26+$0x0] =	vst v1;
	v0 =	vld [tilespmem:s11+$0xFFFFFFFC]  }
0xb5: {  	s0 =	sor.u32 s8, s23;
	[tilespmem:s3+$0x0] =	vst v2;
	v1 =	vld [tilespmem:s11+$0xFFFFFFDC]  }
0xb6: {  	[tilespmem:s0+$0x0] =	vst v3;
	v2 =	vld [tilespmem:s11+$0xFFFFFFEC]  }
0xb7: {  	s7 =	sadd.s32 $0x5200, s5;
	s25 =	sadd.s32 $0x40, s11;
	v3 =	vld [tilespmem:s11+$0xFFFFFFCC]  }
0xb8: {  	s31 =	simm.s32 $0x200;
	s10 =	sor.u32 s9, s7;
	v4 =	vld [tilespmem:s25+$0x0]  }
0xb9: {  	s16 =	simm.s32 $0x60;
	s12 =	sor.u32 s4, s7;
	s13 =	sor.u32 s8, s7;
	v5 =	vld [tilespmem:s25+$0xFFFFFFE0];
	[tilespmem:s10+$0x0] =	vst v0  }
0xba: {  	s14 =	simm.s32 $0x70;
	s1 =	sor.u32 s6, s7;
	s26 =	sand.u32 $0x3C00, s31;
	v6 =	vld [tilespmem:s25+$0xFFFFFFD0];
	[tilespmem:s12+$0x0] =	vst v1  }
0xbb: {  	s28 =	sand.u32 $0x70, s14;
	s7 =	sadd.s32 $0x5000, s26;
	[tilespmem:s1+$0x0] =	vst v2;
	v2 =	vld [tilespmem:s25+$0xFFFFFFF0];
	s10 =	simm.s32 $0x50  }
0xbc: {  	s0 =	simm.s32 $0x40;
	s17 =	sor.u32 s28, s7;
	[tilespmem:s13+$0x0] =	vst v3;
	v0 =	vld [tilespmem:s11+$0xFFFFFFFB];
	s29 =	sand.u32 $0x50, s10  }
0xbd: {  	s30 =	sand.u32 $0x60, s16;
	[tilespmem:s17+$0x0] =	vst v4;
	s1 =	sand.u32 $0x40, s0;
	v3 =	vld [tilespmem:s11+$0xFFFFFFCB];
	s10 =	sor.u32 s29, s7  }
0xbe: {  	s18 =	sor.u32 s30, s7;
	v4 =	vld [tilespmem:s25+$0xFFFFFFFF];
	s7 =	sor.u32 s1, s7;
	[tilespmem:s10+$0x0] =	vst v5  }
0xbf: {  	s3 =	sadd.s32 $0x5280, s5;
	v1 =	vld [tilespmem:s11+$0xFFFFFFDB];
	[tilespmem:s7+$0x0] =	vst v6  }
0xc0: {  	s15 =	sor.u32 s9, s3;
	v5 =	vld [tilespmem:s25+$0xFFFFFFDF];
	[tilespmem:s18+$0x0] =	vst v2  }
0xc1: {  	s23 =	sor.u32 s8, s3;
	s12 =	sadd.s32 $0x5080, s26;
	[tilespmem:s15+$0x0] =	vst v0;
	v2 =	vld [tilespmem:s25+$0xFFFFFFEF]  }
0xc2: {  	s13 =	sor.u32 s28, s12;
	[tilespmem:s23+$0x0] =	vst v3;
	v0 =	vld [tilespmem:s11+$0xFFFFFFFA]  }
0xc3: {  	s16 =	sor.u32 s4, s3;
	v6 =	vld [tilespmem:s25+$0xFFFFFFCF];
	[tilespmem:s13+$0x0] =	vst v4  }
0xc4: {  	s14 =	sor.u32 s29, s12;
	v3 =	vld [tilespmem:s11+$0xFFFFFFEB];
	[tilespmem:s16+$0x0] =	vst v1  }
0xc5: {  	s2 =	sadd.s32 $0x5300, s5;
	s15 =	sor.u32 s30, s12;
	v4 =	vld [tilespmem:s25+$0xFFFFFFFE];
	[tilespmem:s14+$0x0] =	vst v5  }
0xc6: {  	s22 =	sor.u32 s9, s2;
	[tilespmem:s15+$0x0] =	vst v2;
	v2 =	vld [tilespmem:s25+$0xFFFFFFDE]  }
0xc7: {  	s7 =	sor.u32 s1, s12;
	[tilespmem:s22+$0x0] =	vst v0;
	v5 =	vld [tilespmem:s25+$0xFFFFFFEE]  }
0xc8: {  	s3 =	sor.u32 s6, s3;
	s17 =	sadd.s32 $0x5100, s26;
	[tilespmem:s7+$0x0] =	vst v6;
	v0 =	vld [tilespmem:s11+$0xFFFFFFF9]  }
0xc9: {  	s18 =	sor.u32 s28, s17;
	v6 =	vld [tilespmem:s25+$0xFFFFFFCE];
	[tilespmem:s3+$0x0] =	vst v3  }
0xca: {  	v7 =	vld [tilespmem:s11+$0xFFFFFFDA];
	[tilespmem:s18+$0x0] =	vst v4;
	s22 =	sor.u32 s29, s17  }
0xcb: {  	s10 =	sadd.s32 $0x5380, s5;
	s23 =	sor.u32 s30, s17;
	v1 =	vld [tilespmem:s25+$0xFFFFFFFD];
	[tilespmem:s22+$0x0] =	vst v2  }
0xcc: {  	s5 =	sor.u32 s9, s10;
	[tilespmem:s23+$0x0] =	vst v5;
	v2 =	vld [tilespmem:s25+$0xFFFFFFDD]  }
0xcd: {  	[tilespmem:s5+$0x0] =	vst v0;
	v0 =	vld [tilespmem:s11+$0xFFFFFFCA];
	s5 =	sor.u32 s1, s17  }
0xce: {  	s12 =	sadd.s32 $0x5180, s26;
	s16 =	sor.u32 s4, s2;
	v4 =	vld [tilespmem:s25+$0xFFFFFFED];
	[tilespmem:s5+$0x0] =	vst v6  }
0xcf: {  	s13 =	sor.u32 s28, s12;
	[tilespmem:s16+$0x0] =	vst v7;
	v5 =	vld [tilespmem:s25+$0xFFFFFFCD]  }
0xd0: {  	s14 =	sor.u32 s29, s12;
	v3 =	vld [tilespmem:s11+$0xFFFFFFD9];
	[tilespmem:s13+$0x0] =	vst v1  }
0xd1: {  	s9 =	sor.u32 s8, s2;
	[tilespmem:s14+$0x0] =	vst v2;
	v2 =	vld [tilespmem:s25+$0xFFFFFFFC]  }
0xd2: {  	s15 =	sor.u32 s30, s12;
	[tilespmem:s9+$0x0] =	vst v0;
	v0 =	vld [tilespmem:s11+$0xFFFFFFEA]  }
0xd3: {  	s3 =	sor.u32 s1, s12;
	[tilespmem:s15+$0x0] =	vst v4;
	v6 =	vld [tilespmem:s25+$0xFFFFFFDC]  }
0xd4: {  	s17 =	sadd.s32 $0x5200, s26;
	v8 =	vld [tilespmem:s25+$0xFFFFFFEC];
	[tilespmem:s3+$0x0] =	vst v5  }
0xd5: {  	s18 =	sor.u32 s28, s17;
	v4 =	vld [tilespmem:s25+$0xFFFFFFCC]  }
0xd6: {  	s2 =	sor.u32 s6, s2;
	v1 =	vld [tilespmem:s11+$0xFFFFFFC9];
	[tilespmem:s18+$0x0] =	vst v2  }
0xd7: {  	s22 =	sor.u32 s29, s17;
	s5 =	sor.u32 s4, s10;
	[tilespmem:s2+$0x0] =	vst v0;
	v5 =	vld [tilespmem:s25+$0xFFFFFFFB]  }
0xd8: {  	s23 =	sor.u32 s30, s17;
	s4 =	simm.s32 $0x4;
	s7 =	sor.u32 s1, s17;
	[tilespmem:s22+$0x0] =	vst v6;
	v2 =	vld [tilespmem:s11+$0xFFFFFFE9]  }
0xd9: {  	s9 =	sor.u32 s8, s10;
	s8 =	sor.u32 s6, s10;
	s6 =	sadd.s32 $0x40, s25;
	v0 =	vld [tilespmem:s25+$0xFFFFFFDB];
	[tilespmem:s23+$0x0] =	vst v8  }
.LBB2_5:
0xda: {  	v6 =	vld [tilespmem:s6+$0x0];
	s4 =	sadd.s32 $0x4, s4;
	[tilespmem:s7+$0x0] =	vst v4;
	s31 =	sadd.s32 $0x200, s31  }
0xdb: {  	s2 =	sadd.s32 $0x5280, s26;
	s0 =	sadd.s32 $0x40, s0;
	v4 =	vld [tilespmem:s6+$0xFFFFFFE0];
	p1 =	slt.u32 s4, $0x7C;
	[tilespmem:s9+$0x0] =	vst v1  }
0xdc: {  	s9 =	sand.u32 $0x3C00, s31;
	s3 =	sadd.s32 $0x30, s0;
	s7 =	sor.u32 s28, s2;
	v1 =	vld [tilespmem:s6+$0xFFFFFFF0];
	[tilespmem:s5+$0x0] =	vst v3  }
0xdd: {  	s10 =	sadd.s32 $0x10, s0;
	s5 =	sadd.s32 $0x5000, s9;
	s15 =	sand.u32 $0x70, s3;
	v3 =	vld [tilespmem:s6+$0xFFFFFFD0];
	[tilespmem:s7+$0x0] =	vst v5  }
0xde: {  	s10 =	sand.u32 $0x50, s10;
	s3 =	sadd.s32 $0x20, s0;
	s7 =	sor.u32 s15, s5;
	v5 =	vld [tilespmem:s25+$0xFFFFFFFA];
	[tilespmem:s8+$0x0] =	vst v2  }
0xdf: {  	s12 =	sand.u32 $0x40, s0;
	s11 =	sand.u32 $0x60, s3;
	s8 =	sor.u32 s10, s5;
	[tilespmem:s7+$0x0] =	vst v6;
	v2 =	vld [tilespmem:s25+$0xFFFFFFCB]  }
0xe0: {  	s3 =	sor.u32 s12, s5;
	s5 =	sor.u32 s11, s5;
	[tilespmem:s8+$0x0] =	vst v4;
	v4 =	vld [tilespmem:s6+$0xFFFFFFFF];
	s8 =	sor.u32 s1, s2  }
0xe1: {  	s16 =	sor.u32 s29, s2;
	s14 =	sor.u32 s30, s2;
	v6 =	vld [tilespmem:s6+$0xFFFFFFDF];
	[tilespmem:s5+$0x0] =	vst v1;
	s5 =	sadd.s32 $0x5300, s26  }
0xe2: {  	[tilespmem:s3+$0x0] =	vst v3;
	v1 =	vld [tilespmem:s6+$0xFFFFFFEF];
	s13 =	sor.u32 s1, s5;
	s7 =	sor.u32 s29, s5;
	s2 =	sor.u32 s28, s5  }
0xe3: {  	s17 =	sadd.s32 $0x5080, s9;
	s3 =	sor.u32 s30, s5;
	v3 =	vld [tilespmem:s6+$0xFFFFFFCF];
	[tilespmem:s2+$0x0] =	vst v5  }
0xe4: {  	s18 =	sor.u32 s15, s17;
	s5 =	sor.u32 s10, s17;
	s2 =	sor.u32 s12, s17;
	[tilespmem:s8+$0x0] =	vst v2;
	v2 =	vld [tilespmem:s25+$0xFFFFFFF9]  }
0xe5: {  	s8 =	sor.u32 s11, s17;
	[tilespmem:s18+$0x0] =	vst v4;
	v4 =	vld [tilespmem:s25+$0xFFFFFFEB]  }
0xe6: {  	[tilespmem:s5+$0x0] =	vst v6;
	v5 =	vld [tilespmem:s6+$0xFFFFFFFE]  }
0xe7: {  	v6 =	vld [tilespmem:s6+$0xFFFFFFDE];
	[tilespmem:s8+$0x0] =	vst v1;
	s8 =	sadd.s32 $0x5380, s26;
	s26 =	smov.u32 s9  }
0xe8: {  	[tilespmem:s2+$0x0] =	vst v3;
	v1 =	vld [tilespmem:s6+$0xFFFFFFEE];
	s9 =	sor.u32 s1, s8;
	s5 =	sor.u32 s29, s8;
	s1 =	sor.u32 s28, s8  }
0xe9: {  	s2 =	sadd.s32 $0x5100, s26;
	s8 =	sor.u32 s30, s8;
	s28 =	smov.u32 s15;
	v3 =	vld [tilespmem:s6+$0xFFFFFFCE];
	[tilespmem:s1+$0x0] =	vst v2  }
0xea: {  	s15 =	sor.u32 s12, s2;
	s17 =	sor.u32 s10, s2;
	s1 =	sor.u32 s28, s2;
	v2 =	vld [tilespmem:s25+$0xFFFFFFCA];
	[tilespmem:s16+$0x0] =	vst v0  }
0xeb: {  	s29 =	smov.u32 s10;
	s2 =	sor.u32 s11, s2;
	[tilespmem:s1+$0x0] =	vst v5;
	v0 =	vld [tilespmem:s25+$0xFFFFFFDA];
	s1 =	smov.u32 s12  }
0xec: {  	s30 =	smov.u32 s11;
	[tilespmem:s17+$0x0] =	vst v6;
	v5 =	vld [tilespmem:s6+$0xFFFFFFFD]  }
0xed: {  	v6 =	vld [tilespmem:s6+$0xFFFFFFDD];
	[tilespmem:s2+$0x0] =	vst v1  }
0xee: {  	[tilespmem:s15+$0x0] =	vst v3;
	v3 =	vld [tilespmem:s6+$0xFFFFFFED]  }
0xef: {  	s2 =	sadd.s32 $0x5180, s26;
	v7 =	vld [tilespmem:s6+$0xFFFFFFCD];
	[tilespmem:s14+$0x0] =	vst v4  }
0xf0: {  	s10 =	sor.u32 s1, s2;
	s11 =	sor.u32 s29, s2;
	s12 =	sor.u32 s28, s2;
	[tilespmem:s13+$0x0] =	vst v2;
	v2 =	vld [tilespmem:s25+$0xFFFFFFEA]  }
0xf1: {  	s2 =	sor.u32 s30, s2;
	[tilespmem:s12+$0x0] =	vst v5;
	v1 =	vld [tilespmem:s25+$0xFFFFFFC9]  }
0xf2: {  	[tilespmem:s11+$0x0] =	vst v6;
	v5 =	vld [tilespmem:s6+$0xFFFFFFFC]  }
0xf3: {  	v6 =	vld [tilespmem:s6+$0xFFFFFFDC];
	[tilespmem:s2+$0x0] =	vst v3  }
0xf4: {  	[tilespmem:s10+$0x0] =	vst v7;
	v7 =	vld [tilespmem:s6+$0xFFFFFFEC]  }
.Ltmp1:
0xf5: {  	s2 =	sadd.s32 $0x5200, s26;
	v4 =	vld [tilespmem:s6+$0xFFFFFFCC];
	[tilespmem:s7+$0x0] =	vst v0;
	(pc) =	sbr.rel @p1 .LBB2_5-.Ltmp1, $4  }
0xf6: {  	s10 =	sor.u32 s29, s2;
	s11 =	sor.u32 s28, s2;
	s7 =	sor.u32 s1, s2;
	v3 =	vld [tilespmem:s25+$0xFFFFFFD9];
	[tilespmem:s3+$0x0] =	vst v2  }
0xf7: {  	s2 =	sor.u32 s30, s2;
	[tilespmem:s11+$0x0] =	vst v5;
	v2 =	vld [tilespmem:s25+$0xFFFFFFE9];
	s25 =	smov.u32 s6  }
0xf8: {  	[tilespmem:s10+$0x0] =	vst v6;
	v5 =	vld [tilespmem:s6+$0xFFFFFFFB]  }
0xf9: {  	s6 =	sadd.s32 $0x40, s6;
	v0 =	vld [tilespmem:s25+$0xFFFFFFDB];
	[tilespmem:s2+$0x0] =	vst v7  }
0xfa: {  	[tilespmem:s7+$0x0] =	vst v4;
	v6 =	vld [tilespmem:s25+$0xFFFFFFEB]  }
0xfb: {  	s0 =	sadd.s32 $0x5280, s26;
	v4 =	vld [tilespmem:s25+$0xFFFFFFCB]  }
0xfc: {  	s2 =	sor.u32 s28, s0  }
0xfd: {  	s3 =	sor.u32 s29, s0;
	[tilespmem:s2+$0x0] =	vst v5  }
0xfe: {  	s15 =	sor.u32 s1, s0;
	s0 =	sor.u32 s30, s0;
	v5 =	vld [tilespmem:s25+$0xFFFFFFFA];
	[tilespmem:s3+$0x0] =	vst v0  }
0xff: {  	v0 =	vld [tilespmem:s25+$0xFFFFFFDA];
	[tilespmem:s0+$0x0] =	vst v6  }
0x100: {  	[tilespmem:s15+$0x0] =	vst v4;
	v6 =	vld [tilespmem:s25+$0xFFFFFFEA]  }
0x101: {  	s16 =	sadd.s32 $0x5300, s26;
	[tilespmem:s9+$0x0] =	vst v1;
	v4 =	vld [tilespmem:s25+$0xFFFFFFCA]  }
0x102: {  	s17 =	sor.u32 s28, s16;
	[tilespmem:s5+$0x0] =	vst v3  }
0x103: {  	s22 =	sor.u32 s29, s16;
	[tilespmem:s17+$0x0] =	vst v5  }
0x104: {  	s0 =	sor.u32 s30, s16;
	v1 =	vld [tilespmem:s25+$0xFFFFFFF9];
	[tilespmem:s22+$0x0] =	vst v0  }
0x105: {  	s18 =	sor.u32 s1, s16;
	v0 =	vld [tilespmem:s25+$0xFFFFFFD9];
	[tilespmem:s0+$0x0] =	vst v6  }
0x106: {  	[tilespmem:s18+$0x0] =	vst v4;
	v3 =	vld [tilespmem:s25+$0xFFFFFFE9]  }
0x107: {  	s23 =	sadd.s32 $0x5380, s26;
	v4 =	vld [tilespmem:s25+$0xFFFFFFC9]  }
0x108: {  	s26 =	sor.u32 s28, s23;
	[tilespmem:s8+$0x0] =	vst v2  }
0x109: {  	s24 =	sadd.s32 s24, s21;
	s4 =	sor.u32 s29, s23;
	[tilespmem:s26+$0x0] =	vst v1  }
0x10a: {  	s5 =	sadd.s32 $0x4000, s24;
	s0 =	sor.u32 s30, s23;
	[tilespmem:s4+$0x0] =	vst v0  }
0x10b: {  	s3 =	sor.u32 s1, s23;
	s1 =	sshrl.u32 s5, $0x3;
	[tilespmem:s0+$0x0] =	vst v3  }
0x10c: {  	s7 =	simm.s32 $0x5000;
	s6 =	sadd.s32 s19, s1;
	s0 =	simm.s32 @!p0 $0x2;
	[tilespmem:s3+$0x0] =	vst v4  }
0x10d: {  	[hbm4b:s6+s20] =	stream.linear.scatter [tilespmem:s7], [sflag:$0x2], $0x4000, $0x38;
	[tilespmem:$0x11000] =	vst v63  }
0x10e: {  	_ =	swait.ge @!p0 [sflag:s0], $0x4000  }
0x10f: {  	[sflag:s0] =	ssyncset.done @!p0 $0x0  }
0x110: {  	s23 =	rddreg [dreg:$0xd];
	[sflag:s0] =	ssyncadd.s32 @!p0 $0xFFFFC000  }
0x111: {  	v0 =	vld [tilespmem:s23+$0x0]  }
0x112: {  	s8 =	simm.s32 $0x0;
	v2 =	vld [tilespmem:s23+$0xFFFFFFF0]  }
0x113: {  	s10 =	simm.s32 $0x30;
	s5 =	sand.u32 $0x3C00, s8  }
0x114: {  	s13 =	simm.s32 $0x20;
	s9 =	sand.u32 $0x70, s10;
	s11 =	sadd.s32 $0x9000, s5  }
0x115: {  	s1 =	sor.u32 s9, s11;
	s6 =	sand.u32 $0x60, s13;
	v1 =	vld [tilespmem:s23+$0xFFFFFFE0]  }
0x116: {  	s14 =	sor.u32 s6, s11;
	v3 =	vld [tilespmem:s23+$0xFFFFFFD0];
	[tilespmem:s1+$0x0] =	vst v0  }
0x117: {  	s12 =	simm.s32 $0x10;
	[tilespmem:s14+$0x0] =	vst v2;
	v0 =	vld [tilespmem:s23+$0xFFFFFFFF]  }
0x118: {  	s4 =	sand.u32 $0x50, s12;
	v2 =	vld [tilespmem:s23+$0xFFFFFFEF]  }
0x119: {  	s8 =	sand.u32 $0x40, s8;
	s3 =	sor.u32 s4, s11  }
0x11a: {  	s16 =	sadd.s32 $0x9080, s5;
	s15 =	sor.u32 s8, s11;
	[tilespmem:s3+$0x0] =	vst v1  }
0x11b: {  	s17 =	sor.u32 s9, s16;
	[tilespmem:s15+$0x0] =	vst v3;
	v1 =	vld [tilespmem:s23+$0xFFFFFFDF]  }
0x11c: {  	s21 =	sor.u32 s6, s16;
	v3 =	vld [tilespmem:s23+$0xFFFFFFCF];
	[tilespmem:s17+$0x0] =	vst v0  }
0x11d: {  	[tilespmem:s21+$0x0] =	vst v2;
	v0 =	vld [tilespmem:s23+$0xFFFFFFFE]  }
0x11e: {  	v2 =	vld [tilespmem:s23+$0xFFFFFFEE]  }
0x11f: {  	s18 =	sor.u32 s4, s16  }
0x120: {  	s22 =	sadd.s32 $0x9100, s5;
	s0 =	sor.u32 s8, s16;
	[tilespmem:s18+$0x0] =	vst v1  }
0x121: {  	s25 =	sor.u32 s9, s22;
	[tilespmem:s0+$0x0] =	vst v3;
	v1 =	vld [tilespmem:s23+$0xFFFFFFDE]  }
0x122: {  	s2 =	sor.u32 s6, s22;
	v3 =	vld [tilespmem:s23+$0xFFFFFFCE];
	[tilespmem:s25+$0x0] =	vst v0  }
0x123: {  	[tilespmem:s2+$0x0] =	vst v2;
	v0 =	vld [tilespmem:s23+$0xFFFFFFFD]  }
0x124: {  	v2 =	vld [tilespmem:s23+$0xFFFFFFED]  }
0x125: {  	s26 =	sor.u32 s4, s22  }
0x126: {  	s1 =	sor.u32 s8, s22;
	s3 =	sadd.s32 $0x9180, s5;
	[tilespmem:s26+$0x0] =	vst v1  }
0x127: {  	s7 =	sor.u32 s9, s3;
	[tilespmem:s1+$0x0] =	vst v3;
	v1 =	vld [tilespmem:s23+$0xFFFFFFDD]  }
0x128: {  	s11 =	sor.u32 s6, s3;
	v3 =	vld [tilespmem:s23+$0xFFFFFFCD];
	[tilespmem:s7+$0x0] =	vst v0  }
0x129: {  	[tilespmem:s11+$0x0] =	vst v2;
	v0 =	vld [tilespmem:s23+$0xFFFFFFFC]  }
0x12a: {  	s25 =	sadd.s32 $0x40, s23;
	v2 =	vld [tilespmem:s23+$0xFFFFFFEC]  }
0x12b: {  	s31 =	simm.s32 $0x200;
	s10 =	sor.u32 s4, s3;
	v4 =	vld [tilespmem:s25+$0x0]  }
0x12c: {  	s12 =	sadd.s32 $0x9200, s5;
	s16 =	simm.s32 $0x70;
	s0 =	sor.u32 s8, s3;
	v5 =	vld [tilespmem:s25+$0xFFFFFFE0];
	[tilespmem:s10+$0x0] =	vst v1  }
0x12d: {  	s13 =	sor.u32 s9, s12;
	s28 =	sand.u32 $0x70, s16;
	s26 =	sand.u32 $0x3C00, s31;
	[tilespmem:s0+$0x0] =	vst v3;
	v1 =	vld [tilespmem:s23+$0xFFFFFFDC]  }
0x12e: {  	s1 =	sor.u32 s6, s12;
	s18 =	sadd.s32 $0x9000, s26;
	s10 =	simm.s32 $0x50;
	v3 =	vld [tilespmem:s23+$0xFFFFFFCC];
	[tilespmem:s13+$0x0] =	vst v0  }
0x12f: {  	s22 =	sor.u32 s28, s18;
	s29 =	sand.u32 $0x50, s10;
	[tilespmem:s1+$0x0] =	vst v2;
	v2 =	vld [tilespmem:s25+$0xFFFFFFF0]  }
0x130: {  	[tilespmem:s22+$0x0] =	vst v4;
	s10 =	sor.u32 s29, s18;
	v0 =	vld [tilespmem:s23+$0xFFFFFFFB]  }
0x131: {  	s14 =	sor.u32 s4, s12;
	s21 =	simm.s32 $0x60;
	v6 =	vld [tilespmem:s25+$0xFFFFFFD0];
	[tilespmem:s10+$0x0] =	vst v5  }
0x132: {  	s15 =	sor.u32 s8, s12;
	s30 =	sand.u32 $0x60, s21;
	v4 =	vld [tilespmem:s25+$0xFFFFFFFF];
	[tilespmem:s14+$0x0] =	vst v1  }
0x133: {  	s3 =	sadd.s32 $0x9280, s5;
	s0 =	simm.s32 $0x40;
	s10 =	sor.u32 s30, s18;
	v5 =	vld [tilespmem:s25+$0xFFFFFFDF];
	[tilespmem:s15+$0x0] =	vst v3  }
0x134: {  	s17 =	sor.u32 s9, s3;
	s1 =	sand.u32 $0x40, s0;
	v3 =	vld [tilespmem:s23+$0xFFFFFFCB];
	[tilespmem:s10+$0x0] =	vst v2  }
0x135: {  	s13 =	sadd.s32 $0x9080, s26;
	s7 =	sor.u32 s1, s18;
	[tilespmem:s17+$0x0] =	vst v0;
	v2 =	vld [tilespmem:s25+$0xFFFFFFEF]  }
0x136: {  	s14 =	sor.u32 s28, s13;
	[tilespmem:s7+$0x0] =	vst v6;
	v0 =	vld [tilespmem:s23+$0xFFFFFFFA]  }
0x137: {  	v1 =	vld [tilespmem:s23+$0xFFFFFFDB];
	s15 =	sor.u32 s29, s13;
	[tilespmem:s14+$0x0] =	vst v4  }
0x138: {  	s12 =	sor.u32 s8, s3;
	v6 =	vld [tilespmem:s25+$0xFFFFFFCF];
	[tilespmem:s15+$0x0] =	vst v5  }
0x139: {  	s2 =	sadd.s32 $0x9300, s5;
	s16 =	sor.u32 s30, s13;
	v4 =	vld [tilespmem:s25+$0xFFFFFFFE];
	[tilespmem:s12+$0x0] =	vst v3  }
0x13a: {  	s11 =	sor.u32 s9, s2;
	[tilespmem:s16+$0x0] =	vst v2;
	v2 =	vld [tilespmem:s25+$0xFFFFFFDE]  }
0x13b: {  	s17 =	sor.u32 s4, s3;
	[tilespmem:s11+$0x0] =	vst v0;
	v5 =	vld [tilespmem:s25+$0xFFFFFFEE]  }
0x13c: {  	s18 =	sadd.s32 $0x9100, s26;
	s7 =	sor.u32 s1, s13;
	[tilespmem:s17+$0x0] =	vst v1;
	v0 =	vld [tilespmem:s23+$0xFFFFFFF9]  }
0x13d: {  	s21 =	sor.u32 s28, s18;
	v3 =	vld [tilespmem:s23+$0xFFFFFFEB];
	[tilespmem:s7+$0x0] =	vst v6  }
0x13e: {  	s22 =	sor.u32 s29, s18;
	s10 =	sadd.s32 $0x9380, s5;
	[tilespmem:s21+$0x0] =	vst v4;
	v6 =	vld [tilespmem:s25+$0xFFFFFFCE]  }
0x13f: {  	s5 =	sor.u32 s9, s10;
	s9 =	sor.u32 s30, s18;
	v1 =	vld [tilespmem:s25+$0xFFFFFFFD];
	[tilespmem:s22+$0x0] =	vst v2  }
0x140: {  	[tilespmem:s9+$0x0] =	vst v5;
	v2 =	vld [tilespmem:s25+$0xFFFFFFDD]  }
0x141: {  	s3 =	sor.u32 s6, s3;
	[tilespmem:s5+$0x0] =	vst v0;
	v0 =	vld [tilespmem:s23+$0xFFFFFFCA]  }
0x142: {  	s12 =	sadd.s32 $0x9180, s26;
	[tilespmem:s3+$0x0] =	vst v3;
	s5 =	sor.u32 s1, s18;
	v4 =	vld [tilespmem:s25+$0xFFFFFFED]  }
0x143: {  	s13 =	sor.u32 s28, s12;
	v7 =	vld [tilespmem:s23+$0xFFFFFFDA];
	[tilespmem:s5+$0x0] =	vst v6  }
0x144: {  	s14 =	sor.u32 s29, s12;
	[tilespmem:s13+$0x0] =	vst v1;
	v5 =	vld [tilespmem:s25+$0xFFFFFFCD]  }
0x145: {  	s11 =	sor.u32 s8, s2;
	[tilespmem:s14+$0x0] =	vst v2;
	v2 =	vld [tilespmem:s25+$0xFFFFFFFC]  }
0x146: {  	s15 =	sor.u32 s30, s12;
	[tilespmem:s11+$0x0] =	vst v0;
	v0 =	vld [tilespmem:s23+$0xFFFFFFEA]  }
0x147: {  	s16 =	sor.u32 s4, s2;
	[tilespmem:s15+$0x0] =	vst v4;
	v6 =	vld [tilespmem:s25+$0xFFFFFFDC]  }
0x148: {  	s17 =	sadd.s32 $0x9200, s26;
	s3 =	sor.u32 s1, s12;
	[tilespmem:s16+$0x0] =	vst v7;
	v8 =	vld [tilespmem:s25+$0xFFFFFFEC]  }
0x149: {  	v3 =	vld [tilespmem:s23+$0xFFFFFFD9];
	s18 =	sor.u32 s28, s17;
	[tilespmem:s3+$0x0] =	vst v5  }
0x14a: {  	s2 =	sor.u32 s6, s2;
	v4 =	vld [tilespmem:s25+$0xFFFFFFCC];
	[tilespmem:s18+$0x0] =	vst v2  }
0x14b: {  	s21 =	sor.u32 s29, s17;
	v1 =	vld [tilespmem:s23+$0xFFFFFFC9];
	[tilespmem:s2+$0x0] =	vst v0  }
0x14c: {  	s7 =	sor.u32 s1, s17;
	s22 =	sor.u32 s30, s17;
	[tilespmem:s21+$0x0] =	vst v6;
	v5 =	vld [tilespmem:s25+$0xFFFFFFFB]  }
0x14d: {  	s9 =	sor.u32 s8, s10;
	s8 =	sor.u32 s6, s10;
	s6 =	sadd.s32 $0x40, s25;
	v2 =	vld [tilespmem:s23+$0xFFFFFFE9];
	[tilespmem:s22+$0x0] =	vst v8  }
0x14e: {  	s5 =	sor.u32 s4, s10;
	s4 =	simm.s32 $0x4;
	v0 =	vld [tilespmem:s25+$0xFFFFFFDB];
	s22 =	rddreg [dreg:$0xc]  }
.LBB2_7:
0x14f: {  	v6 =	vld [tilespmem:s6+$0x0];
	s4 =	sadd.s32 $0x4, s4;
	[tilespmem:s7+$0x0] =	vst v4;
	s31 =	sadd.s32 $0x200, s31  }
0x150: {  	s2 =	sadd.s32 $0x9280, s26;
	s0 =	sadd.s32 $0x40, s0;
	v4 =	vld [tilespmem:s6+$0xFFFFFFE0];
	p1 =	slt.u32 s4, $0x7C;
	[tilespmem:s9+$0x0] =	vst v1  }
0x151: {  	s9 =	sand.u32 $0x3C00, s31;
	s3 =	sadd.s32 $0x30, s0;
	s7 =	sor.u32 s28, s2;
	v1 =	vld [tilespmem:s6+$0xFFFFFFF0];
	[tilespmem:s5+$0x0] =	vst v3  }
0x152: {  	s10 =	sadd.s32 $0x10, s0;
	s5 =	sadd.s32 $0x9000, s9;
	s15 =	sand.u32 $0x70, s3;
	v3 =	vld [tilespmem:s6+$0xFFFFFFD0];
	[tilespmem:s7+$0x0] =	vst v5  }
0x153: {  	s10 =	sand.u32 $0x50, s10;
	s3 =	sadd.s32 $0x20, s0;
	s7 =	sor.u32 s15, s5;
	v5 =	vld [tilespmem:s25+$0xFFFFFFFA];
	[tilespmem:s8+$0x0] =	vst v2  }
0x154: {  	s12 =	sand.u32 $0x40, s0;
	s11 =	sand.u32 $0x60, s3;
	s8 =	sor.u32 s10, s5;
	[tilespmem:s7+$0x0] =	vst v6;
	v2 =	vld [tilespmem:s25+$0xFFFFFFCB]  }
0x155: {  	s3 =	sor.u32 s12, s5;
	s5 =	sor.u32 s11, s5;
	[tilespmem:s8+$0x0] =	vst v4;
	v4 =	vld [tilespmem:s6+$0xFFFFFFFF];
	s8 =	sor.u32 s1, s2  }
0x156: {  	s16 =	sor.u32 s29, s2;
	s14 =	sor.u32 s30, s2;
	v6 =	vld [tilespmem:s6+$0xFFFFFFDF];
	[tilespmem:s5+$0x0] =	vst v1;
	s5 =	sadd.s32 $0x9300, s26  }
0x157: {  	[tilespmem:s3+$0x0] =	vst v3;
	v1 =	vld [tilespmem:s6+$0xFFFFFFEF];
	s13 =	sor.u32 s1, s5;
	s7 =	sor.u32 s29, s5;
	s2 =	sor.u32 s28, s5  }
0x158: {  	s17 =	sadd.s32 $0x9080, s9;
	s3 =	sor.u32 s30, s5;
	v3 =	vld [tilespmem:s6+$0xFFFFFFCF];
	[tilespmem:s2+$0x0] =	vst v5  }
0x159: {  	s18 =	sor.u32 s15, s17;
	s5 =	sor.u32 s10, s17;
	s2 =	sor.u32 s12, s17;
	[tilespmem:s8+$0x0] =	vst v2;
	v2 =	vld [tilespmem:s25+$0xFFFFFFF9]  }
0x15a: {  	s8 =	sor.u32 s11, s17;
	[tilespmem:s18+$0x0] =	vst v4;
	v4 =	vld [tilespmem:s25+$0xFFFFFFEB]  }
0x15b: {  	[tilespmem:s5+$0x0] =	vst v6;
	v5 =	vld [tilespmem:s6+$0xFFFFFFFE]  }
0x15c: {  	v6 =	vld [tilespmem:s6+$0xFFFFFFDE];
	[tilespmem:s8+$0x0] =	vst v1;
	s8 =	sadd.s32 $0x9380, s26;
	s26 =	smov.u32 s9  }
0x15d: {  	[tilespmem:s2+$0x0] =	vst v3;
	v1 =	vld [tilespmem:s6+$0xFFFFFFEE];
	s9 =	sor.u32 s1, s8;
	s5 =	sor.u32 s29, s8;
	s1 =	sor.u32 s28, s8  }
0x15e: {  	s2 =	sadd.s32 $0x9100, s26;
	s8 =	sor.u32 s30, s8;
	s28 =	smov.u32 s15;
	v3 =	vld [tilespmem:s6+$0xFFFFFFCE];
	[tilespmem:s1+$0x0] =	vst v2  }
0x15f: {  	s15 =	sor.u32 s12, s2;
	s17 =	sor.u32 s10, s2;
	s1 =	sor.u32 s28, s2;
	v2 =	vld [tilespmem:s25+$0xFFFFFFCA];
	[tilespmem:s16+$0x0] =	vst v0  }
0x160: {  	s29 =	smov.u32 s10;
	s2 =	sor.u32 s11, s2;
	[tilespmem:s1+$0x0] =	vst v5;
	v0 =	vld [tilespmem:s25+$0xFFFFFFDA];
	s1 =	smov.u32 s12  }
0x161: {  	s30 =	smov.u32 s11;
	[tilespmem:s17+$0x0] =	vst v6;
	v5 =	vld [tilespmem:s6+$0xFFFFFFFD]  }
0x162: {  	v6 =	vld [tilespmem:s6+$0xFFFFFFDD];
	[tilespmem:s2+$0x0] =	vst v1  }
0x163: {  	[tilespmem:s15+$0x0] =	vst v3;
	v3 =	vld [tilespmem:s6+$0xFFFFFFED]  }
0x164: {  	s2 =	sadd.s32 $0x9180, s26;
	v7 =	vld [tilespmem:s6+$0xFFFFFFCD];
	[tilespmem:s14+$0x0] =	vst v4  }
0x165: {  	s10 =	sor.u32 s1, s2;
	s11 =	sor.u32 s29, s2;
	s12 =	sor.u32 s28, s2;
	[tilespmem:s13+$0x0] =	vst v2;
	v2 =	vld [tilespmem:s25+$0xFFFFFFEA]  }
0x166: {  	s2 =	sor.u32 s30, s2;
	[tilespmem:s12+$0x0] =	vst v5;
	v1 =	vld [tilespmem:s25+$0xFFFFFFC9]  }
0x167: {  	[tilespmem:s11+$0x0] =	vst v6;
	v5 =	vld [tilespmem:s6+$0xFFFFFFFC]  }
0x168: {  	v6 =	vld [tilespmem:s6+$0xFFFFFFDC];
	[tilespmem:s2+$0x0] =	vst v3  }
0x169: {  	[tilespmem:s10+$0x0] =	vst v7;
	v7 =	vld [tilespmem:s6+$0xFFFFFFEC]  }
.Ltmp2:
0x16a: {  	s2 =	sadd.s32 $0x9200, s26;
	v4 =	vld [tilespmem:s6+$0xFFFFFFCC];
	[tilespmem:s7+$0x0] =	vst v0;
	(pc) =	sbr.rel @p1 .LBB2_7-.Ltmp2, $4  }
0x16b: {  	s10 =	sor.u32 s29, s2;
	s11 =	sor.u32 s28, s2;
	s7 =	sor.u32 s1, s2;
	v3 =	vld [tilespmem:s25+$0xFFFFFFD9];
	[tilespmem:s3+$0x0] =	vst v2  }
0x16c: {  	s2 =	sor.u32 s30, s2;
	[tilespmem:s11+$0x0] =	vst v5;
	v2 =	vld [tilespmem:s25+$0xFFFFFFE9];
	s25 =	smov.u32 s6  }
0x16d: {  	[tilespmem:s10+$0x0] =	vst v6;
	v5 =	vld [tilespmem:s6+$0xFFFFFFFB]  }
0x16e: {  	s6 =	sadd.s32 $0x40, s6;
	v0 =	vld [tilespmem:s25+$0xFFFFFFDB];
	[tilespmem:s2+$0x0] =	vst v7  }
0x16f: {  	[tilespmem:s7+$0x0] =	vst v4;
	v6 =	vld [tilespmem:s25+$0xFFFFFFEB]  }
0x170: {  	s0 =	sadd.s32 $0x9280, s26;
	v4 =	vld [tilespmem:s25+$0xFFFFFFCB]  }
0x171: {  	s2 =	sor.u32 s28, s0  }
0x172: {  	s3 =	sor.u32 s29, s0;
	[tilespmem:s2+$0x0] =	vst v5  }
0x173: {  	s6 =	sor.u32 s1, s0;
	s0 =	sor.u32 s30, s0;
	v5 =	vld [tilespmem:s25+$0xFFFFFFFA];
	[tilespmem:s3+$0x0] =	vst v0  }
0x174: {  	v0 =	vld [tilespmem:s25+$0xFFFFFFDA];
	[tilespmem:s0+$0x0] =	vst v6  }
0x175: {  	[tilespmem:s6+$0x0] =	vst v4;
	v6 =	vld [tilespmem:s25+$0xFFFFFFEA]  }
0x176: {  	s7 =	sadd.s32 $0x9300, s26;
	[tilespmem:s9+$0x0] =	vst v1;
	v4 =	vld [tilespmem:s25+$0xFFFFFFCA]  }
0x177: {  	s9 =	sor.u32 s28, s7;
	[tilespmem:s5+$0x0] =	vst v3  }
0x178: {  	s11 =	sor.u32 s29, s7;
	[tilespmem:s9+$0x0] =	vst v5  }
0x179: {  	s0 =	sor.u32 s30, s7;
	v1 =	vld [tilespmem:s25+$0xFFFFFFF9];
	[tilespmem:s11+$0x0] =	vst v0  }
0x17a: {  	s10 =	sor.u32 s1, s7;
	v0 =	vld [tilespmem:s25+$0xFFFFFFD9];
	[tilespmem:s0+$0x0] =	vst v6  }
0x17b: {  	[tilespmem:s10+$0x0] =	vst v4;
	v3 =	vld [tilespmem:s25+$0xFFFFFFE9]  }
0x17c: {  	s12 =	sadd.s32 $0x9380, s26;
	v4 =	vld [tilespmem:s25+$0xFFFFFFC9]  }
0x17d: {  	s13 =	sor.u32 s28, s12;
	[tilespmem:s8+$0x0] =	vst v2  }
0x17e: {  	s15 =	sor.u32 s29, s12;
	[tilespmem:s13+$0x0] =	vst v1  }
0x17f: {  	s16 =	sadd.s32 $0x8000, s24;
	s0 =	sor.u32 s30, s12;
	[tilespmem:s15+$0x0] =	vst v0  }
0x180: {  	s14 =	sor.u32 s1, s12;
	s1 =	sshrl.u32 s16, $0x3;
	[tilespmem:s0+$0x0] =	vst v3  }
0x181: {  	s18 =	simm.s32 $0x9000;
	s17 =	sadd.s32 s19, s1;
	s0 =	simm.s32 @!p0 $0x2;
	[tilespmem:s14+$0x0] =	vst v4  }
0x182: {  	[hbm4b:s17+s20] =	stream.linear.scatter [tilespmem:s18], [sflag:$0x2], $0x4000, $0x38;
	[tilespmem:$0x11000] =	vst v63  }
0x183: {  	_ =	swait.ge @!p0 [sflag:s0], $0x4000  }
0x184: {  	[sflag:s0] =	ssyncset.done @!p0 $0x0  }
0x185: {  	[sflag:s0] =	ssyncadd.s32 @!p0 $0xFFFFC000  }
0x186: {  	v0 =	vld [tilespmem:s22+$0x0]  }
0x187: {  	s21 =	simm.s32 $0x0;
	v1 =	vld [tilespmem:s22+$0xFFFFFFE0]  }
0x188: {  	s5 =	sand.u32 $0x3C00, s21;
	s25 =	simm.s32 $0x30;
	v2 =	vld [tilespmem:s22+$0xFFFFFFF0]  }
0x189: {  	s4 =	simm.s32 $0x10;
	s26 =	sadd.s32 $0xD000, s5;
	s9 =	sand.u32 $0x70, s25;
	v3 =	vld [tilespmem:s22+$0xFFFFFFD0]  }
0x18a: {  	s4 =	sand.u32 $0x50, s4;
	s6 =	simm.s32 $0x20;
	s1 =	sor.u32 s9, s26  }
0x18b: {  	s3 =	sor.u32 s4, s26;
	s6 =	sand.u32 $0x60, s6;
	[tilespmem:s1+$0x0] =	vst v0  }
0x18c: {  	s8 =	sand.u32 $0x40, s21;
	s7 =	sor.u32 s6, s26;
	[tilespmem:s3+$0x0] =	vst v1;
	v0 =	vld [tilespmem:s22+$0xFFFFFFFF]  }
0x18d: {  	s10 =	sor.u32 s8, s26;
	[tilespmem:s7+$0x0] =	vst v2;
	v1 =	vld [tilespmem:s22+$0xFFFFFFDF]  }
0x18e: {  	[tilespmem:s10+$0x0] =	vst v3;
	v2 =	vld [tilespmem:s22+$0xFFFFFFEF]  }
0x18f: {  	s11 =	sadd.s32 $0xD080, s5;
	v3 =	vld [tilespmem:s22+$0xFFFFFFCF]  }
0x190: {  	s12 =	sor.u32 s9, s11  }
0x191: {  	s13 =	sor.u32 s4, s11;
	[tilespmem:s12+$0x0] =	vst v0  }
0x192: {  	s14 =	sor.u32 s6, s11;
	[tilespmem:s13+$0x0] =	vst v1;
	v0 =	vld [tilespmem:s22+$0xFFFFFFFE]  }
0x193: {  	s0 =	sor.u32 s8, s11;
	[tilespmem:s14+$0x0] =	vst v2;
	v1 =	vld [tilespmem:s22+$0xFFFFFFDE]  }
0x194: {  	[tilespmem:s0+$0x0] =	vst v3;
	v2 =	vld [tilespmem:s22+$0xFFFFFFEE]  }
0x195: {  	s15 =	sadd.s32 $0xD100, s5;
	v3 =	vld [tilespmem:s22+$0xFFFFFFCE]  }
0x196: {  	s16 =	sor.u32 s9, s15  }
0x197: {  	s17 =	sor.u32 s4, s15;
	[tilespmem:s16+$0x0] =	vst v0  }
0x198: {  	s18 =	sor.u32 s6, s15;
	[tilespmem:s17+$0x0] =	vst v1;
	v0 =	vld [tilespmem:s22+$0xFFFFFFFD]  }
0x199: {  	s1 =	sor.u32 s8, s15;
	[tilespmem:s18+$0x0] =	vst v2;
	v1 =	vld [tilespmem:s22+$0xFFFFFFDD]  }
0x19a: {  	[tilespmem:s1+$0x0] =	vst v3;
	v2 =	vld [tilespmem:s22+$0xFFFFFFED]  }
0x19b: {  	s21 =	sadd.s32 $0xD180, s5;
	v3 =	vld [tilespmem:s22+$0xFFFFFFCD]  }
0x19c: {  	s25 =	sor.u32 s9, s21  }
0x19d: {  	s26 =	sor.u32 s4, s21;
	[tilespmem:s25+$0x0] =	vst v0  }
0x19e: {  	s2 =	sor.u32 s6, s21;
	[tilespmem:s26+$0x0] =	vst v1;
	v0 =	vld [tilespmem:s22+$0xFFFFFFFC]  }
0x19f: {  	s0 =	sor.u32 s8, s21;
	[tilespmem:s2+$0x0] =	vst v2;
	v1 =	vld [tilespmem:s22+$0xFFFFFFDC]  }
0x1a0: {  	[tilespmem:s0+$0x0] =	vst v3;
	v2 =	vld [tilespmem:s22+$0xFFFFFFEC]  }
0x1a1: {  	s3 =	sadd.s32 $0xD200, s5;
	s25 =	sadd.s32 $0x40, s22;
	v3 =	vld [tilespmem:s22+$0xFFFFFFCC]  }
0x1a2: {  	s7 =	sor.u32 s9, s3;
	v4 =	vld [tilespmem:s25+$0x0]  }
0x1a3: {  	s31 =	simm.s32 $0x200;
	s10 =	sor.u32 s4, s3;
	s11 =	sor.u32 s8, s3;
	v6 =	vld [tilespmem:s25+$0xFFFFFFD0];
	[tilespmem:s7+$0x0] =	vst v0  }
0x1a4: {  	s12 =	simm.s32 $0x70;
	s1 =	sor.u32 s6, s3;
	s26 =	sand.u32 $0x3C00, s31;
	v5 =	vld [tilespmem:s25+$0xFFFFFFE0];
	[tilespmem:s10+$0x0] =	vst v1  }
0x1a5: {  	s28 =	sand.u32 $0x70, s12;
	s0 =	simm.s32 $0x40;
	s14 =	sadd.s32 $0xD000, s26;
	[tilespmem:s1+$0x0] =	vst v2;
	v2 =	vld [tilespmem:s25+$0xFFFFFFF0]  }
0x1a6: {  	s16 =	sor.u32 s28, s14;
	s10 =	simm.s32 $0x50;
	[tilespmem:s11+$0x0] =	vst v3;
	s1 =	sand.u32 $0x40, s0;
	v0 =	vld [tilespmem:s22+$0xFFFFFFFB]  }
0x1a7: {  	s15 =	simm.s32 $0x60;
	[tilespmem:s16+$0x0] =	vst v4;
	s29 =	sand.u32 $0x50, s10;
	v3 =	vld [tilespmem:s22+$0xFFFFFFCB];
	s7 =	sor.u32 s1, s14  }
0x1a8: {  	s30 =	sand.u32 $0x60, s15;
	v4 =	vld [tilespmem:s25+$0xFFFFFFFF];
	s10 =	sor.u32 s29, s14;
	[tilespmem:s7+$0x0] =	vst v6  }
0x1a9: {  	s3 =	sadd.s32 $0xD280, s5;
	s17 =	sor.u32 s30, s14;
	v1 =	vld [tilespmem:s22+$0xFFFFFFDB];
	[tilespmem:s10+$0x0] =	vst v5  }
0x1aa: {  	s13 =	sor.u32 s9, s3;
	v5 =	vld [tilespmem:s25+$0xFFFFFFDF];
	[tilespmem:s17+$0x0] =	vst v2  }
0x1ab: {  	s21 =	sor.u32 s8, s3;
	s11 =	sadd.s32 $0xD080, s26;
	[tilespmem:s13+$0x0] =	vst v0;
	v2 =	vld [tilespmem:s25+$0xFFFFFFEF]  }
0x1ac: {  	s12 =	sor.u32 s28, s11;
	[tilespmem:s21+$0x0] =	vst v3;
	v0 =	vld [tilespmem:s22+$0xFFFFFFFA]  }
0x1ad: {  	s15 =	sor.u32 s4, s3;
	v6 =	vld [tilespmem:s25+$0xFFFFFFCF];
	[tilespmem:s12+$0x0] =	vst v4  }
0x1ae: {  	s13 =	sor.u32 s29, s11;
	v3 =	vld [tilespmem:s22+$0xFFFFFFEB];
	[tilespmem:s15+$0x0] =	vst v1  }
0x1af: {  	s2 =	sadd.s32 $0xD300, s5;
	s14 =	sor.u32 s30, s11;
	v4 =	vld [tilespmem:s25+$0xFFFFFFFE];
	[tilespmem:s13+$0x0] =	vst v5  }
0x1b0: {  	s18 =	sor.u32 s9, s2;
	[tilespmem:s14+$0x0] =	vst v2;
	v2 =	vld [tilespmem:s25+$0xFFFFFFDE]  }
0x1b1: {  	s7 =	sor.u32 s1, s11;
	[tilespmem:s18+$0x0] =	vst v0;
	v5 =	vld [tilespmem:s25+$0xFFFFFFEE]  }
0x1b2: {  	s3 =	sor.u32 s6, s3;
	s16 =	sadd.s32 $0xD100, s26;
	[tilespmem:s7+$0x0] =	vst v6;
	v0 =	vld [tilespmem:s22+$0xFFFFFFF9]  }
0x1b3: {  	s17 =	sor.u32 s28, s16;
	v6 =	vld [tilespmem:s25+$0xFFFFFFCE];
	[tilespmem:s3+$0x0] =	vst v3  }
0x1b4: {  	v7 =	vld [tilespmem:s22+$0xFFFFFFDA];
	[tilespmem:s17+$0x0] =	vst v4;
	s18 =	sor.u32 s29, s16  }
0x1b5: {  	s10 =	sadd.s32 $0xD380, s5;
	s21 =	sor.u32 s30, s16;
	v1 =	vld [tilespmem:s25+$0xFFFFFFFD];
	[tilespmem:s18+$0x0] =	vst v2  }
0x1b6: {  	s5 =	sor.u32 s9, s10;
	[tilespmem:s21+$0x0] =	vst v5;
	v2 =	vld [tilespmem:s25+$0xFFFFFFDD]  }
0x1b7: {  	[tilespmem:s5+$0x0] =	vst v0;
	v0 =	vld [tilespmem:s22+$0xFFFFFFCA];
	s5 =	sor.u32 s1, s16  }
0x1b8: {  	s11 =	sadd.s32 $0xD180, s26;
	s15 =	sor.u32 s4, s2;
	v4 =	vld [tilespmem:s25+$0xFFFFFFED];
	[tilespmem:s5+$0x0] =	vst v6  }
0x1b9: {  	s12 =	sor.u32 s28, s11;
	[tilespmem:s15+$0x0] =	vst v7;
	v5 =	vld [tilespmem:s25+$0xFFFFFFCD]  }
0x1ba: {  	s13 =	sor.u32 s29, s11;
	v3 =	vld [tilespmem:s22+$0xFFFFFFD9];
	[tilespmem:s12+$0x0] =	vst v1  }
0x1bb: {  	s9 =	sor.u32 s8, s2;
	[tilespmem:s13+$0x0] =	vst v2;
	v2 =	vld [tilespmem:s25+$0xFFFFFFFC]  }
0x1bc: {  	s14 =	sor.u32 s30, s11;
	[tilespmem:s9+$0x0] =	vst v0;
	v0 =	vld [tilespmem:s22+$0xFFFFFFEA]  }
0x1bd: {  	s3 =	sor.u32 s1, s11;
	[tilespmem:s14+$0x0] =	vst v4;
	v6 =	vld [tilespmem:s25+$0xFFFFFFDC]  }
0x1be: {  	s16 =	sadd.s32 $0xD200, s26;
	v8 =	vld [tilespmem:s25+$0xFFFFFFEC];
	[tilespmem:s3+$0x0] =	vst v5  }
0x1bf: {  	s17 =	sor.u32 s28, s16;
	v4 =	vld [tilespmem:s25+$0xFFFFFFCC]  }
0x1c0: {  	s2 =	sor.u32 s6, s2;
	v1 =	vld [tilespmem:s22+$0xFFFFFFC9];
	[tilespmem:s17+$0x0] =	vst v2  }
0x1c1: {  	s18 =	sor.u32 s29, s16;
	s5 =	sor.u32 s4, s10;
	[tilespmem:s2+$0x0] =	vst v0;
	v5 =	vld [tilespmem:s25+$0xFFFFFFFB]  }
0x1c2: {  	s21 =	sor.u32 s30, s16;
	s4 =	simm.s32 $0x4;
	s7 =	sor.u32 s1, s16;
	[tilespmem:s18+$0x0] =	vst v6;
	v2 =	vld [tilespmem:s22+$0xFFFFFFE9]  }
0x1c3: {  	s9 =	sor.u32 s8, s10;
	s8 =	sor.u32 s6, s10;
	s6 =	sadd.s32 $0x40, s25;
	v0 =	vld [tilespmem:s25+$0xFFFFFFDB];
	[tilespmem:s21+$0x0] =	vst v8  }
.LBB2_9:
0x1c4: {  	v6 =	vld [tilespmem:s6+$0x0];
	s4 =	sadd.s32 $0x4, s4;
	[tilespmem:s7+$0x0] =	vst v4;
	s31 =	sadd.s32 $0x200, s31  }
0x1c5: {  	s2 =	sadd.s32 $0xD280, s26;
	s0 =	sadd.s32 $0x40, s0;
	v4 =	vld [tilespmem:s6+$0xFFFFFFE0];
	p0 =	slt.u32 s4, $0x7C;
	[tilespmem:s9+$0x0] =	vst v1  }
0x1c6: {  	s9 =	sand.u32 $0x3C00, s31;
	s3 =	sadd.s32 $0x30, s0;
	s7 =	sor.u32 s28, s2;
	v1 =	vld [tilespmem:s6+$0xFFFFFFF0];
	[tilespmem:s5+$0x0] =	vst v3  }
0x1c7: {  	s10 =	sadd.s32 $0x10, s0;
	s5 =	sadd.s32 $0xD000, s9;
	s15 =	sand.u32 $0x70, s3;
	v3 =	vld [tilespmem:s6+$0xFFFFFFD0];
	[tilespmem:s7+$0x0] =	vst v5  }
0x1c8: {  	s10 =	sand.u32 $0x50, s10;
	s3 =	sadd.s32 $0x20, s0;
	s7 =	sor.u32 s15, s5;
	v5 =	vld [tilespmem:s25+$0xFFFFFFFA];
	[tilespmem:s8+$0x0] =	vst v2  }
0x1c9: {  	s12 =	sand.u32 $0x40, s0;
	s11 =	sand.u32 $0x60, s3;
	s8 =	sor.u32 s10, s5;
	[tilespmem:s7+$0x0] =	vst v6;
	v2 =	vld [tilespmem:s25+$0xFFFFFFCB]  }
0x1ca: {  	s3 =	sor.u32 s12, s5;
	s5 =	sor.u32 s11, s5;
	[tilespmem:s8+$0x0] =	vst v4;
	v4 =	vld [tilespmem:s6+$0xFFFFFFFF];
	s8 =	sor.u32 s1, s2  }
0x1cb: {  	s16 =	sor.u32 s29, s2;
	s14 =	sor.u32 s30, s2;
	v6 =	vld [tilespmem:s6+$0xFFFFFFDF];
	[tilespmem:s5+$0x0] =	vst v1;
	s5 =	sadd.s32 $0xD300, s26  }
0x1cc: {  	[tilespmem:s3+$0x0] =	vst v3;
	v1 =	vld [tilespmem:s6+$0xFFFFFFEF];
	s13 =	sor.u32 s1, s5;
	s7 =	sor.u32 s29, s5;
	s2 =	sor.u32 s28, s5  }
0x1cd: {  	s17 =	sadd.s32 $0xD080, s9;
	s3 =	sor.u32 s30, s5;
	v3 =	vld [tilespmem:s6+$0xFFFFFFCF];
	[tilespmem:s2+$0x0] =	vst v5  }
0x1ce: {  	s18 =	sor.u32 s15, s17;
	s5 =	sor.u32 s10, s17;
	s2 =	sor.u32 s12, s17;
	[tilespmem:s8+$0x0] =	vst v2;
	v2 =	vld [tilespmem:s25+$0xFFFFFFF9]  }
0x1cf: {  	s8 =	sor.u32 s11, s17;
	[tilespmem:s18+$0x0] =	vst v4;
	v4 =	vld [tilespmem:s25+$0xFFFFFFEB]  }
0x1d0: {  	[tilespmem:s5+$0x0] =	vst v6;
	v5 =	vld [tilespmem:s6+$0xFFFFFFFE]  }
0x1d1: {  	v6 =	vld [tilespmem:s6+$0xFFFFFFDE];
	[tilespmem:s8+$0x0] =	vst v1;
	s8 =	sadd.s32 $0xD380, s26;
	s26 =	smov.u32 s9  }
0x1d2: {  	[tilespmem:s2+$0x0] =	vst v3;
	v1 =	vld [tilespmem:s6+$0xFFFFFFEE];
	s9 =	sor.u32 s1, s8;
	s5 =	sor.u32 s29, s8;
	s1 =	sor.u32 s28, s8  }
0x1d3: {  	s2 =	sadd.s32 $0xD100, s26;
	s8 =	sor.u32 s30, s8;
	s28 =	smov.u32 s15;
	v3 =	vld [tilespmem:s6+$0xFFFFFFCE];
	[tilespmem:s1+$0x0] =	vst v2  }
0x1d4: {  	s15 =	sor.u32 s12, s2;
	s17 =	sor.u32 s10, s2;
	s1 =	sor.u32 s28, s2;
	v2 =	vld [tilespmem:s25+$0xFFFFFFCA];
	[tilespmem:s16+$0x0] =	vst v0  }
0x1d5: {  	s29 =	smov.u32 s10;
	s2 =	sor.u32 s11, s2;
	[tilespmem:s1+$0x0] =	vst v5;
	v0 =	vld [tilespmem:s25+$0xFFFFFFDA];
	s1 =	smov.u32 s12  }
0x1d6: {  	s30 =	smov.u32 s11;
	[tilespmem:s17+$0x0] =	vst v6;
	v5 =	vld [tilespmem:s6+$0xFFFFFFFD]  }
0x1d7: {  	v6 =	vld [tilespmem:s6+$0xFFFFFFDD];
	[tilespmem:s2+$0x0] =	vst v1  }
0x1d8: {  	[tilespmem:s15+$0x0] =	vst v3;
	v3 =	vld [tilespmem:s6+$0xFFFFFFED]  }
0x1d9: {  	s2 =	sadd.s32 $0xD180, s26;
	v7 =	vld [tilespmem:s6+$0xFFFFFFCD];
	[tilespmem:s14+$0x0] =	vst v4  }
0x1da: {  	s10 =	sor.u32 s1, s2;
	s11 =	sor.u32 s29, s2;
	s12 =	sor.u32 s28, s2;
	[tilespmem:s13+$0x0] =	vst v2;
	v2 =	vld [tilespmem:s25+$0xFFFFFFEA]  }
0x1db: {  	s2 =	sor.u32 s30, s2;
	[tilespmem:s12+$0x0] =	vst v5;
	v1 =	vld [tilespmem:s25+$0xFFFFFFC9]  }
0x1dc: {  	[tilespmem:s11+$0x0] =	vst v6;
	v5 =	vld [tilespmem:s6+$0xFFFFFFFC]  }
0x1dd: {  	v6 =	vld [tilespmem:s6+$0xFFFFFFDC];
	[tilespmem:s2+$0x0] =	vst v3  }
0x1de: {  	[tilespmem:s10+$0x0] =	vst v7;
	v7 =	vld [tilespmem:s6+$0xFFFFFFEC]  }
.Ltmp3:
0x1df: {  	s2 =	sadd.s32 $0xD200, s26;
	v4 =	vld [tilespmem:s6+$0xFFFFFFCC];
	[tilespmem:s7+$0x0] =	vst v0;
	(pc) =	sbr.rel @p0 .LBB2_9-.Ltmp3, $4  }
0x1e0: {  	s10 =	sor.u32 s29, s2;
	s11 =	sor.u32 s28, s2;
	s7 =	sor.u32 s1, s2;
	v3 =	vld [tilespmem:s25+$0xFFFFFFD9];
	[tilespmem:s3+$0x0] =	vst v2  }
0x1e1: {  	s2 =	sor.u32 s30, s2;
	[tilespmem:s11+$0x0] =	vst v5;
	v2 =	vld [tilespmem:s25+$0xFFFFFFE9];
	s25 =	smov.u32 s6  }
0x1e2: {  	[tilespmem:s10+$0x0] =	vst v6;
	v5 =	vld [tilespmem:s6+$0xFFFFFFFB]  }
0x1e3: {  	s6 =	sadd.s32 $0x40, s6;
	v0 =	vld [tilespmem:s25+$0xFFFFFFDB];
	[tilespmem:s2+$0x0] =	vst v7  }
0x1e4: {  	[tilespmem:s7+$0x0] =	vst v4;
	v6 =	vld [tilespmem:s25+$0xFFFFFFEB]  }
0x1e5: {  	s0 =	sadd.s32 $0xD280, s26;
	v4 =	vld [tilespmem:s25+$0xFFFFFFCB]  }
0x1e6: {  	s2 =	sor.u32 s28, s0  }
0x1e7: {  	s3 =	sor.u32 s29, s0;
	[tilespmem:s2+$0x0] =	vst v5  }
0x1e8: {  	s12 =	sor.u32 s1, s0;
	s0 =	sor.u32 s30, s0;
	v5 =	vld [tilespmem:s25+$0xFFFFFFFA];
	[tilespmem:s3+$0x0] =	vst v0  }
0x1e9: {  	v0 =	vld [tilespmem:s25+$0xFFFFFFDA];
	[tilespmem:s0+$0x0] =	vst v6  }
0x1ea: {  	[tilespmem:s12+$0x0] =	vst v4;
	v6 =	vld [tilespmem:s25+$0xFFFFFFEA]  }
0x1eb: {  	s13 =	sadd.s32 $0xD300, s26;
	v4 =	vld [tilespmem:s25+$0xFFFFFFCA]  }
0x1ec: {  	[tilespmem:s9+$0x0] =	vst v1;
	s14 =	sor.u32 s28, s13  }
0x1ed: {  	s16 =	sor.u32 s29, s13;
	[tilespmem:s14+$0x0] =	vst v5  }
0x1ee: {  	s0 =	sor.u32 s30, s13;
	v62 =	vld [tilespmem:s25+$0xFFFFFFF9];
	[tilespmem:s16+$0x0] =	vst v0  }
0x1ef: {  	s15 =	sor.u32 s1, s13;
	v0 =	vld [tilespmem:s25+$0xFFFFFFD9];
	[tilespmem:s0+$0x0] =	vst v6  }
0x1f0: {  	[tilespmem:s15+$0x0] =	vst v4;
	v63 =	vld [tilespmem:s25+$0xFFFFFFE9]  }
0x1f1: {  	s17 =	sadd.s32 $0xD380, s26;
	[tilespmem:s5+$0x0] =	vst v3;
	v4 =	vld [tilespmem:s25+$0xFFFFFFC9]  }
0x1f2: {  	s18 =	sor.u32 s28, s17;
	[tilespmem:s8+$0x0] =	vst v2  }
0x1f3: {  	s25 =	sor.u32 s29, s17;
	[tilespmem:s18+$0x0] =	vst v62  }
0x1f4: {  	s0 =	sor.u32 s30, s17;
	[tilespmem:s25+$0x0] =	vst v0  }
0x1f5: {  	s21 =	sor.u32 s1, s17;
	[tilespmem:s0+$0x0] =	vst v63  }
0x1f6: {  	[tilespmem:s21+$0x0] =	vst v4  }
0x1f7: {  	s2 =	rddreg [dreg:$0x10]  }
0x1f8: {  	s26 =	sadd.s32 $0xC000, s24;
	s2 =	sadd.s32 $0x1, s2  }
0x1f9: {  	s1 =	sshrl.u32 s26, $0x3;
	p0 =	sne.s32 s2, $0x20  }
.Ltmp4:
0x1fa: {  	s28 =	sadd.s32 s19, s1;
	s29 =	simm.s32 $0xD000;
	(pc) =	sbr.rel @p0 .LBB2_2-.Ltmp4, $4  }
0x1fb: {  	[hbm4b:s28+s20] =	stream.linear.scatter [tilespmem:s29], [sflag:$0x2], $0x4000, $0x38;
	[tilespmem:$0x11000] =	vst v63  }
0x1fc: {  	s31 =	rddreg [dreg:$0xe]  }
0x1fd: {  	s23 =	sadd.s32 $0xFFFFFFE0, s23;
	s30 =	rddreg [dreg:$0xf];
	s0 =	sadd.s32 $0xFFFFFFE0, s31  }
0x1fe: {  	s22 =	sadd.s32 $0xFFFFFFE0, s22;
	s19 =	sadd.s32 $0xFFFFFFE0, s30;
	[dreg:$0xe] =	wrdreg s0  }
0x1ff: {  	s1 =	simm.s32 $0x2  }
0x200: {  	_ =	swait.ge [sflag:s1], $0x4000  }
0x201: {  	[sflag:s1] =	ssyncset.done $0x0  }
0x202: {  	[sflag:s1] =	ssyncadd.s32 $0xFFFFC000  }
0x203: {  	_ =	swait.ge [sflag:s1], $0x4000  }
0x204: {  	[sflag:s1] =	ssyncset.done $0x0  }
0x205: {  	[sflag:s1] =	ssyncadd.s32 $0xFFFFC000  }
0x206: {  	_ =	swait.ge [sflag:s1], $0x4000  }
0x207: {  	[sflag:s1] =	ssyncset.done $0x0  }
0x208: {  	[sflag:s1] =	ssyncadd.s32 $0xFFFFC000  }
0x209: {  	_ =	swait.ge [sflag:s1], $0x4000  }
0x20a: {  	s2 =	rddreg [dreg:$0xb]  }
0x20b: {  	s0 =	rddreg [dreg:$0x6];
	s2 =	sadd.s32 $0x1, s2  }
0x20c: {  	p0 =	sne.s32 s2, s0  }
.Ltmp5:
0x20d: {  	_ = 	snop;
	(pc) =	sbr.rel @p0 .LBB2_1-.Ltmp5, $3  }
0x20e: {  	_ =	sdelay $0x1  }
0x20f: {  	[sflag:s1] =	ssyncset.done $0x0  }
0x210: {  	[sflag:s1] =	ssyncadd.s32 $0xFFFFC000  }
0x211: {  	_ =	sfence.sel $0x180000  }
0x212: {  	[bflag:$0x0] =	sbarrier.arrive $0xFFFF  }
0x213: {  	_ =	strace $0x90000047  }
0x214: {  	s0 =	stileid.u32;
	[bflag:$0x2] =	sbarrier.arrive $0xFFFF  }
0x215: {  	p0 =	sne.s32 s0, $0x0;
	s0 =	rddreg [dreg:$0x2]  }
0x216: {  	s0 =	sadd.s32 @!p0 $0x100000, s0  }
0x217: {  	[sflag:s0] =	ssyncadd.tile.s32 @!p0 $0x1;
	_ =	shalt  }
.Lfunc_end2:
_tile_overlayer_lowered:
.L_overlay_start_2:
0x218: {  	(tag) =	ssettag $0x2  }
0x219: {  	s0 =	rddreg [dreg:$0x0];
	s2 =	stileid.u32  }
0x21a: {  	s1 =	rddreg [dreg:$0x1];
	p0 =	sne.s32 s2, $0x0  }
0x21b: {  	s3 =	rddreg [dreg:$0x2];
	[bflag:$0x3] =	sbarrier.arrive $0xFFFF;
	s2 =	simm.s32 @!p0 $0x1C03  }
0x21c: {  	[timem:s3], [sflag:s2] =	dma.local @!p0 [hbm:s0], s1  }
0x21d: {  	s0 =	simm.s32 @!p0 $0x3  }
0x21e: {  	_ =	swait.ge @!p0 [sflag:s0], s1  }
0x21f: {  	s1 =	ssub.s32 @!p0 $0x0, s1;
	[sflag:s0] =	ssyncset.done @!p0 $0x0  }
0x220: {  	[sflag:s0] =	ssyncadd.s32 @!p0 s1  }
0x221: {  	[bflag:$0x3] =	sbarrier.arrive $0xFFFF  }
0x222: {  	_ =	shalt  }

</sc_bundles>
